<compile_context>
chip_gen: v7x
topology: tpu7x:2x2x1
jax: 0.10.2.dev20260603
libtpu: 0.0.44.dev20260713+nightly
codegen_flags: <defaults>
</compile_context>

<pallas_src>
import functools

import jax
import jax.numpy as jnp
from jax import lax
from jax.experimental import pallas as pl
from jax.experimental.pallas import tpu as pltpu
from jax.experimental.pallas import tpu_sc as plsc

_NC = 2
_NS = 16
_NW = _NC * _NS
_CH = 128
_BL = 8
_L = 16
_DEGW = 16


def _deg_kernel(npad, k):
    rpt = npad // _NS
    mesh = plsc.VectorSubcoreMesh(core_axis_name="c", subcore_axis_name="s")

    @functools.partial(
        pl.kernel,
        out_type=jax.ShapeDtypeStruct((_NC, npad, _DEGW), jnp.float32),
        mesh=mesh,
        scratch_types=[
            pltpu.VMEM((k, _CH), jnp.int32),
            pltpu.VMEM((_CH, _DEGW), jnp.float32),
            pltpu.VMEM((_CH, _DEGW), jnp.float32),
            pltpu.VMEM((_CH,), jnp.int32),
            pltpu.VMEM_SHARED((npad, _DEGW), jnp.float32),
        ],
    )
    def deg_kernel(dst_hbm, cnt_hbm, dst_v, ones_v, buf_v, idx_v, deg_sh):
        cid = lax.axis_index("c")
        sid = lax.axis_index("s")
        wid = cid * _NS + sid
        tb = sid * rpt
        nchunk = -(-rpt // _CH)
        one = jnp.full((_L,), 1.0, dtype=jnp.float32)
        zero = jnp.zeros((_L,), dtype=jnp.float32)
        lane = lax.iota(jnp.int32, _L)

        @pl.loop(0, _CH)
        def _(i):
            ones_v[i, :] = one
            buf_v[i, :] = zero

        pltpu.sync_copy(dst_hbm.at[wid], dst_v)

        def fill_idx(c):
            base = tb + c * _CH
            @pl.loop(0, _CH // _L)
            def _(jj):
                v = base + jj * _L + lane
                idx_v[pl.ds(jj * _L, _L)] = jnp.minimum(v, npad - 1)

        @pl.loop(0, nchunk)
        def _(c):
            fill_idx(c)
            pltpu.sync_copy(buf_v, deg_sh.at[idx_v])

        plsc.subcore_barrier()

        @pl.loop(0, k)
        def _(j):
            pltpu.sync_copy(ones_v, deg_sh.at[dst_v.at[j]], add=True)

        plsc.subcore_barrier()

        for c in range(nchunk):
            rows = min(_CH, rpt - c * _CH)
            fill_idx(c)
            pltpu.sync_copy(deg_sh.at[idx_v], buf_v)
            pltpu.sync_copy(buf_v.at[pl.ds(0, rows)],
                            cnt_hbm.at[cid, pl.ds(tb + c * _CH, rows)])

    return deg_kernel


def _gather_scatter_kernel(npad, k, d):
    rpt = npad // _NS
    nblk = k // _BL
    mesh = plsc.VectorSubcoreMesh(core_axis_name="c", subcore_axis_name="s")

    @functools.partial(
        pl.kernel,
        out_type=jax.ShapeDtypeStruct((_NW * k * _CH, d), jnp.float32),
        mesh=mesh,
        scratch_types=[
            pltpu.VMEM((k, _CH), jnp.int32),
            pltpu.VMEM((_CH, d), jnp.float32),
            pltpu.VMEM((_CH, d), jnp.float32),
            pltpu.VMEM((_CH,), jnp.int32),
            pltpu.VMEM((_CH,), jnp.int32),
            pltpu.SemaphoreType.DMA,
        ],
    )
    def gs_kernel(y_hbm, src_hbm, out_hbm, src_v, rows_a, rows_b,
                  idx_a, idx_b, sem):
        cid = lax.axis_index("c")
        sid = lax.axis_index("s")
        wid = cid * _NS + sid
        pltpu.sync_copy(src_hbm.at[wid], src_v)

        def chunk(j, buf, idx):
            @pl.loop(0, _CH // _L)
            def _(jj):
                idx[pl.ds(jj * _L, _L)] = src_v[j, pl.ds(jj * _L, _L)]
            pltpu.async_copy(y_hbm.at[idx], buf, sem).wait()
            pltpu.sync_copy(
                buf, out_hbm.at[pl.ds(wid * (k * _CH) + j * _CH, _CH)])

        @pl.loop(0, k // 2)
        def _(p):
            chunk(2 * p, rows_a, idx_a)
            chunk(2 * p + 1, rows_b, idx_b)

    return gs_kernel


def _prep_body(x_ref, w_ref, cnt_ref, y_ref, dinv_ref):
    cnt = cnt_ref[...]
    deg = (jnp.sum(cnt[0], axis=1) + jnp.sum(cnt[1], axis=1)) * (1.0 / _DEGW)
    deg = deg + 1.0
    dinv = lax.rsqrt(deg)
    xw = jnp.dot(x_ref[...], w_ref[...], preferred_element_type=jnp.float32)
    y_ref[...] = xw * dinv[:, None]
    dinv_ref[...] = dinv[:, None]


def _final_body(acc_ref, y_ref, dinv_ref, bg_ref, wznt_ref, wh_ref, bh_ref,
                out_ref, h_ref):
    n, dmid = h_ref.shape
    acc = acc_ref[0, :n, :] + acc_ref[1, :n, :] + y_ref[:n, :]
    s = jnp.maximum(acc * dinv_ref[:n, :] + bg_ref[...][None, :], 0.0)
    gi = jnp.dot(s, wznt_ref[...], preferred_element_type=jnp.float32)
    z = jax.nn.sigmoid(gi[:, :dmid])
    ngate = jnp.tanh(gi[:, dmid:])
    h = (1.0 - z) * ngate
    h_ref[...] = h
    pooled = jnp.sum(h, axis=0) * (1.0 / n)
    out = jnp.dot(pooled[None, :], wh_ref[...],
                  preferred_element_type=jnp.float32) + bh_ref[...][None, :]
    out_ref[...] = out


def kernel(x, edge_index, W_gcn, b_gcn, W_ih, W_hh, W_head, b_head):
    n, din = x.shape
    e = edge_index.shape[1]
    dmid = W_gcn.shape[1]
    dhid = W_hh.shape[1]
    dout = W_head.shape[1]

    npad = -(-(n + 1) // (_NS * 8)) * (_NS * 8)
    k = -(-e // (_NW * _CH))
    k = -(-k // (2 * _BL)) * (2 * _BL)
    epad = _NW * k * _CH

    src = edge_index[0].astype(jnp.int32)
    dst = edge_index[1].astype(jnp.int32)
    fill = jnp.full((epad - e,), n, dtype=jnp.int32)
    src = jnp.concatenate([src, fill])
    dst = jnp.concatenate([dst, fill])
    src4 = src.reshape(_NW, k // _BL, _BL, _CH)
    dst4 = dst.reshape(_NW, k // _BL, _BL, _CH)
    dst3 = dst.reshape(_NW, k, _CH)
    xpad = jnp.concatenate([x, jnp.zeros((npad - n, din), x.dtype)], axis=0)

    cnt = _deg_kernel(npad, k)(dst3)

    ypad, dinv = pl.pallas_call(
        _prep_body,
        out_shape=(jax.ShapeDtypeStruct((npad, dmid), jnp.float32),
                   jax.ShapeDtypeStruct((npad, 1), jnp.float32)),
    )(xpad, W_gcn, cnt)

    gath = _gather_scatter_kernel(npad, k, dmid)(ypad, src.reshape(_NW, k, _CH))
    acc = jax.ops.segment_sum(gath, dst.reshape(-1), num_segments=npad)
    acc2 = jnp.stack([acc, jnp.zeros_like(acc)])

    w_znt = jnp.transpose(W_ih[dhid:, :])
    out2, h = pl.pallas_call(
        _final_body,
        out_shape=(jax.ShapeDtypeStruct((1, dout), jnp.float32),
                   jax.ShapeDtypeStruct((n, dhid), jnp.float32)),
    )(acc2, ypad, dinv, b_gcn, w_znt, W_head, b_head)
    return (out2.reshape(dout), h)

# --- scband reference (transcript-rebuilt; emitter-appended) ---
"""Pipeline reference for scband-rgcn-19499151524294 (READ-ONLY COPY).

The authoritative reference and input builder live on the scoring server;
editing this copy changes nothing except your own understanding.
"""

import jax, jax.numpy as jnp
import numpy as np

N_NODES = 10000
N_EDGES = 320000
DIN = 128
DMID = 128
DHID = 128
DOUT = 1


def setup_inputs(seed: int = 0) -> dict:
    key = jax.random.key(seed)
    ks = jax.random.split(key, 10)
    x = jax.random.normal(ks[0], (N_NODES, DIN), dtype=jnp.float32)
    edge_index = jax.random.randint(ks[1], (2, N_EDGES), 0, N_NODES, dtype=jnp.int64)
    # GCN backbone params (single GCN conv layer: din -> dmid)
    W_gcn = jax.random.normal(ks[2], (DIN, DMID), dtype=jnp.float32) * (1.0 / np.sqrt(DIN))
    b_gcn = jnp.zeros((DMID,), dtype=jnp.float32)
    # GRUCell params (bias=False): weight_ih [3*dhid, dmid], weight_hh [3*dhid, dhid]
    W_ih = jax.random.normal(ks[3], (3 * DHID, DMID), dtype=jnp.float32) * (1.0 / np.sqrt(DHID))
    W_hh = jax.random.normal(ks[4], (3 * DHID, DHID), dtype=jnp.float32) * (1.0 / np.sqrt(DHID))
    # Graph classification head: global mean pool + linear dhid -> dout
    W_head = jax.random.normal(ks[5], (DHID, DOUT), dtype=jnp.float32) * (1.0 / np.sqrt(DHID))
    b_head = jnp.zeros((DOUT,), dtype=jnp.float32)
    return {"x": x, "edge_index": edge_index, "W_gcn": W_gcn, "b_gcn": b_gcn,
            "W_ih": W_ih, "W_hh": W_hh, "W_head": W_head, "b_head": b_head}


def _gcn_layer(x, edge_index, W, b):
    N = x.shape[0]
    loop = jnp.arange(N, dtype=edge_index.dtype)
    src = jnp.concatenate([edge_index[0], loop])
    dst = jnp.concatenate([edge_index[1], loop])
    ones = jnp.ones(src.shape[0], dtype=x.dtype)
    deg = jax.ops.segment_sum(ones, dst, num_segments=N)
    dinv = jnp.where(deg > 0, deg ** -0.5, 0.0)
    norm = dinv[src] * dinv[dst]
    xw = x @ W
    msg = jnp.take(xw, src, axis=0) * norm[:, None]
    agg = jax.ops.segment_sum(msg, dst, num_segments=N)
    return jax.nn.relu(agg + b)


def _gru_cell(x, h, W_ih, W_hh):
    gi = x @ W_ih.T
    gh = h @ W_hh.T
    i_r, i_z, i_n = jnp.split(gi, 3, axis=1)
    h_r, h_z, h_n = jnp.split(gh, 3, axis=1)
    r = jax.nn.sigmoid(i_r + h_r)
    z = jax.nn.sigmoid(i_z + h_z)
    n = jnp.tanh(i_n + r * h_n)
    return (1.0 - z) * n + z * h


def reference(x, edge_index, W_gcn, b_gcn, W_ih, W_hh, W_head, b_head):
    # spatial: GCN backbone
    s = _gcn_layer(x, edge_index, W_gcn, b_gcn)
    # temporal: GRUCell with prev_h=None -> zeros initial state
    h0 = jnp.zeros((s.shape[0], W_hh.shape[1]), dtype=s.dtype)
    h = _gru_cell(s, h0, W_ih, W_hh)
    # head: global mean pool over nodes + linear
    pooled = jnp.mean(h, axis=0)
    out = pooled @ W_head + b_head
    return (out, h)

if __name__ == "__main__":
    import jax
    _d = setup_inputs()
    print(jax.jit(kernel)(*tuple(_d.values())))

</pallas_src>

<mosaic_0001>
#map = affine_map<(d0, d1) -> (0, 0, 0)>
module attributes {stable_mosaic.version = 14 : i64} {
  func.func @deg_kernel(%arg0: i32, %arg1: i32, %arg2: memref<32x80x128xi32, #tpu.memory_space<hbm>>, %arg3: memref<2x10112x16xf32, #tpu.memory_space<hbm>>, %arg4: memref<80x128xi32, #tpu.memory_space<vmem>>, %arg5: memref<128x16xf32, #tpu.memory_space<vmem>>, %arg6: memref<128x16xf32, #tpu.memory_space<vmem>>, %arg7: memref<128xi32, #tpu.memory_space<vmem>>, %arg8: memref<10112x16xf32, #tpu.memory_space<vmem_shared>>) attributes {dimension_semantics = [#tpu.dimension_semantics<core_parallel>, #tpu.dimension_semantics<subcore_parallel>], iteration_bounds = array<i64: 2, 16>, scalar_prefetch = 0 : i64, scratch_operands = 5 : i64, tpu.core_type = #tpu.core_type<sc_vector_subcore>, window_params = [{transform_indices = #map}, {transform_indices = #map}]} {
    %mul3A = arith.constant 16 : i32
    %mul3A_0 = arith.muli %arg0, %mul3A : i32
    %add3A = arith.addi %mul3A_0, %arg1 : i32
    %mul3A_1 = arith.constant 632 : i32
    %mul3A_2 = arith.muli %arg1, %mul3A_1 : i32
    %broadcast_in_dim3A = arith.constant 1.000000e+00 : f32
    %broadcast_in_dim3A_3 = vector.broadcast %broadcast_in_dim3A : f32 to vector<16xf32>
    %broadcast_in_dim3A_4 = arith.constant 0.000000e+00 : f32
    %broadcast_in_dim3A_5 = vector.broadcast %broadcast_in_dim3A_4 : f32 to vector<16xf32>
    %iota3A = tpu.iota {dimensions = array<i32: 0>} : vector<16xi32>
    %scan3A = arith.constant 0 : i32
    %scan3A_6 = arith.constant 128 : i32
    %scan3A_7 = arith.addi %scan3A, %scan3A_6 : i32
    %scan3A_8 = arith.constant 1 : i32
    scf.for %scan3A_66 = %scan3A to %scan3A_7 step %scan3A_8  : i32 {
      %mul3A_67 = arith.constant 1 : i32
      %mul3A_68 = arith.muli %scan3A_66, %mul3A_67 : i32
      %add3A_69 = arith.constant 0 : i32
      %add3A_70 = arith.addi %add3A_69, %mul3A_68 : i32
      %swap3A = arith.index_cast %add3A_70 : i32 to index
      %swap3A_71 = arith.constant 0 : index
      %swap3A_72 = tpu.vector_load %arg5[%swap3A, %swap3A_71] {strides = array<i32>} : memref<128x16xf32, #tpu.memory_space<vmem>>, vector<1x16xf32>,
      %swap3A_73 = vector.shape_cast %swap3A_72 : vector<1x16xf32> to vector<16xf32>
      %swap3A_74 = vector.shape_cast %broadcast_in_dim3A_3 : vector<16xf32> to vector<1x16xf32>
      tpu.vector_store %arg5[%swap3A, %swap3A_71], %swap3A_74 {strides = array<i32>} : memref<128x16xf32, #tpu.memory_space<vmem>>, vector<1x16xf32>,
      %swap3A_75 = arith.index_cast %add3A_70 : i32 to index
      %swap3A_76 = arith.constant 0 : index
      %swap3A_77 = tpu.vector_load %arg6[%swap3A_75, %swap3A_76] {strides = array<i32>} : memref<128x16xf32, #tpu.memory_space<vmem>>, vector<1x16xf32>,
      %swap3A_78 = vector.shape_cast %swap3A_77 : vector<1x16xf32> to vector<16xf32>
      %swap3A_79 = vector.shape_cast %broadcast_in_dim3A_5 : vector<16xf32> to vector<1x16xf32>
      tpu.vector_store %arg6[%swap3A_75, %swap3A_76], %swap3A_79 {strides = array<i32>} : memref<128x16xf32, #tpu.memory_space<vmem>>, vector<1x16xf32>,
    }
    %scan3A_9 = arith.constant 128 : i32
    "tpu.region"() ({
      %run_scoped3A = tpu.sem_alloc : memref<!tpu.dma_semaphore, #tpu.memory_space<semaphore_mem>>
      %dma_start3A = arith.constant 0 : i32
      %dma_start3A_66 = arith.constant 0 : i32
      %dma_start3A_67 = tpu.memref_slice %arg2[%add3A, %dma_start3A, %dma_start3A_66] : memref<32x80x128xi32, #tpu.memory_space<hbm>> -> memref<1x80x128xi32, #tpu.memory_space<hbm>>
      %dma_start3A_68 = tpu.memref_squeeze %dma_start3A_67 : memref<1x80x128xi32, #tpu.memory_space<hbm>> -> memref<80x128xi32, #tpu.memory_space<hbm>>
      %dma_start3A_69 = arith.constant 0 : i32
      %dma_start3A_70 = arith.constant 0 : i32
      %dma_start3A_71 = tpu.memref_slice %arg2[%add3A, %dma_start3A_69, %dma_start3A_70] : memref<32x80x128xi32, #tpu.memory_space<hbm>> -> memref<1x80x128xi32, #tpu.memory_space<hbm>>
      %dma_start3A_72 = tpu.memref_squeeze %dma_start3A_71 : memref<1x80x128xi32, #tpu.memory_space<hbm>> -> memref<80x128xi32, #tpu.memory_space<hbm>>
      tpu.enqueue_dma source(%dma_start3A_72 : memref<80x128xi32, #tpu.memory_space<hbm>>) target(%arg4 : memref<80x128xi32, #tpu.memory_space<vmem>>) target_semaphore(%run_scoped3A : memref<!tpu.dma_semaphore, #tpu.memory_space<semaphore_mem>>)
      %dma_wait3A = arith.constant 0 : i32
      %dma_wait3A_73 = arith.constant 0 : i32
      %dma_wait3A_74 = tpu.memref_slice %arg2[%add3A, %dma_wait3A, %dma_wait3A_73] : memref<32x80x128xi32, #tpu.memory_space<hbm>> -> memref<1x80x128xi32, #tpu.memory_space<hbm>>
      %dma_wait3A_75 = tpu.memref_squeeze %dma_wait3A_74 : memref<1x80x128xi32, #tpu.memory_space<hbm>> -> memref<80x128xi32, #tpu.memory_space<hbm>>
      %dma_wait3A_76 = arith.constant 0 : i32
      %dma_wait3A_77 = arith.constant 0 : i32
      %dma_wait3A_78 = tpu.memref_slice %arg2[%add3A, %dma_wait3A_76, %dma_wait3A_77] : memref<32x80x128xi32, #tpu.memory_space<hbm>> -> memref<1x80x128xi32, #tpu.memory_space<hbm>>
      %dma_wait3A_79 = tpu.memref_squeeze %dma_wait3A_78 : memref<1x80x128xi32, #tpu.memory_space<hbm>> -> memref<80x128xi32, #tpu.memory_space<hbm>>
      tpu.wait_dma2 semaphore(%run_scoped3A : memref<!tpu.dma_semaphore, #tpu.memory_space<semaphore_mem>>) src(%dma_wait3A_79 : memref<80x128xi32, #tpu.memory_space<hbm>>) dst(%arg4 : memref<80x128xi32, #tpu.memory_space<vmem>>)
      tpu.yield
    }) : () -> ()
    %scan3A_10 = arith.constant 0 : i32
    %scan3A_11 = arith.constant 5 : i32
    %scan3A_12 = arith.addi %scan3A_10, %scan3A_11 : i32
    %scan3A_13 = arith.constant 1 : i32
    scf.for %scan3A_66 = %scan3A_10 to %scan3A_12 step %scan3A_13  : i32 {
      %mul3A_67 = arith.constant 1 : i32
      %mul3A_68 = arith.muli %scan3A_66, %mul3A_67 : i32
      %add3A_69 = arith.constant 0 : i32
      %add3A_70 = arith.addi %add3A_69, %mul3A_68 : i32
      %mul3A_71 = arith.constant 128 : i32
      %mul3A_72 = arith.muli %add3A_70, %mul3A_71 : i32
      %add3A_73 = arith.addi %mul3A_2, %mul3A_72 : i32
      %scan3A_74 = arith.constant 0 : i32
      %scan3A_75 = arith.constant 8 : i32
      %scan3A_76 = arith.addi %scan3A_74, %scan3A_75 : i32
      %scan3A_77 = arith.constant 1 : i32
      scf.for %scan3A_79 = %scan3A_74 to %scan3A_76 step %scan3A_77  : i32 {
        %mul3A_80 = arith.constant 1 : i32
        %mul3A_81 = arith.muli %scan3A_79, %mul3A_80 : i32
        %add3A_82 = arith.constant 0 : i32
        %add3A_83 = arith.addi %add3A_82, %mul3A_81 : i32
        %mul3A_84 = arith.constant 16 : i32
        %mul3A_85 = arith.muli %add3A_83, %mul3A_84 : i32
        %add3A_86 = arith.addi %add3A_73, %mul3A_85 : i32
        %add3A_87 = vector.broadcast %add3A_86 : i32 to vector<16xi32>
        %add3A_88 = arith.addi %add3A_87, %iota3A : vector<16xi32>
        %min3A = arith.constant 10111 : i32
        %min3A_89 = vector.broadcast %min3A : i32 to vector<16xi32>
        %min3A_90 = arith.minsi %add3A_88, %min3A_89 : vector<16xi32>
        %mul3A_91 = arith.constant 16 : i32
        %mul3A_92 = arith.muli %add3A_83, %mul3A_91 : i32
        %swap3A = arith.index_cast %mul3A_92 : i32 to index
        %swap3A_93 = tpu.vector_load %arg7[%swap3A] {strides = array<i32>} : memref<128xi32, #tpu.memory_space<vmem>>, vector<16xi32>,
        %swap3A_94 = vector.shape_cast %swap3A_93 : vector<16xi32> to vector<16xi32>
        %swap3A_95 = vector.shape_cast %min3A_90 : vector<16xi32> to vector<16xi32>
        tpu.vector_store %arg7[%swap3A], %swap3A_95 {strides = array<i32>} : memref<128xi32, #tpu.memory_space<vmem>>, vector<16xi32>,
      }
      %scan3A_78 = arith.constant 8 : i32
      "tpu.region"() ({
        %run_scoped3A = tpu.sem_alloc : memref<!tpu.dma_semaphore, #tpu.memory_space<semaphore_mem>>
        %dma_start3A = arith.constant 0 : i32
        %dma_start3A_79 = arith.constant 0 : i32
        %dma_start3A_80 = tpu.memref_slice %arg8[%dma_start3A, %dma_start3A_79] : memref<10112x16xf32, #tpu.memory_space<vmem_shared>> -> memref<10112x16xf32, #tpu.memory_space<vmem_shared>>
        tpu.enqueue_indirect_dma source(%arg6 : memref<128x16xf32, #tpu.memory_space<vmem>>) target(%dma_start3A_80 : memref<10112x16xf32, #tpu.memory_space<vmem_shared>>) offsets(%arg7 : memref<128xi32, #tpu.memory_space<vmem>>) semaphore(%run_scoped3A : memref<!tpu.dma_semaphore, #tpu.memory_space<semaphore_mem>>)
        %dma_wait3A = arith.constant 0 : i32
        %dma_wait3A_81 = arith.constant 0 : i32
        %dma_wait3A_82 = tpu.memref_slice %arg8[%dma_wait3A, %dma_wait3A_81] : memref<10112x16xf32, #tpu.memory_space<vmem_shared>> -> memref<10112x16xf32, #tpu.memory_space<vmem_shared>>
        tpu.wait_indirect_dma semaphore(%run_scoped3A : memref<!tpu.dma_semaphore, #tpu.memory_space<semaphore_mem>>) src(%arg6 : memref<128x16xf32, #tpu.memory_space<vmem>>) dst(%dma_wait3A_82 : memref<10112x16xf32, #tpu.memory_space<vmem_shared>>)
        tpu.yield
      }) : () -> ()
    }
    %scan3A_14 = arith.constant 5 : i32
    %barrier3A = arith.constant 0 : index
    tpu.barrier barrier_id(%barrier3A)
    %scan3A_15 = arith.constant 0 : i32
    %scan3A_16 = arith.constant 80 : i32
    %scan3A_17 = arith.addi %scan3A_15, %scan3A_16 : i32
    %scan3A_18 = arith.constant 1 : i32
    scf.for %scan3A_66 = %scan3A_15 to %scan3A_17 step %scan3A_18  : i32 {
      %mul3A_67 = arith.constant 1 : i32
      %mul3A_68 = arith.muli %scan3A_66, %mul3A_67 : i32
      %add3A_69 = arith.constant 0 : i32
      %add3A_70 = arith.addi %add3A_69, %mul3A_68 : i32
      "tpu.region"() ({
        %run_scoped3A = tpu.sem_alloc : memref<!tpu.dma_semaphore, #tpu.memory_space<semaphore_mem>>
        %dma_start3A = arith.constant 0 : i32
        %dma_start3A_71 = tpu.memref_slice %arg4[%add3A_70, %dma_start3A] : memref<80x128xi32, #tpu.memory_space<vmem>> -> memref<1x128xi32, #tpu.memory_space<vmem>>
        %dma_start3A_72 = tpu.memref_squeeze %dma_start3A_71 : memref<1x128xi32, #tpu.memory_space<vmem>> -> memref<128xi32, #tpu.memory_space<vmem>>
        %dma_start3A_73 = arith.constant 0 : i32
        %dma_start3A_74 = arith.constant 0 : i32
        %dma_start3A_75 = tpu.memref_slice %arg8[%dma_start3A_73, %dma_start3A_74] : memref<10112x16xf32, #tpu.memory_space<vmem_shared>> -> memref<10112x16xf32, #tpu.memory_space<vmem_shared>>
        tpu.enqueue_indirect_dma source(%arg5 : memref<128x16xf32, #tpu.memory_space<vmem>>) target(%dma_start3A_75 : memref<10112x16xf32, #tpu.memory_space<vmem_shared>>) offsets(%dma_start3A_72 : memref<128xi32, #tpu.memory_space<vmem>>) semaphore(%run_scoped3A : memref<!tpu.dma_semaphore, #tpu.memory_space<semaphore_mem>>) {add = true}
        %dma_wait3A = arith.constant 0 : i32
        %dma_wait3A_76 = tpu.memref_slice %arg4[%add3A_70, %dma_wait3A] : memref<80x128xi32, #tpu.memory_space<vmem>> -> memref<1x128xi32, #tpu.memory_space<vmem>>
        %dma_wait3A_77 = tpu.memref_squeeze %dma_wait3A_76 : memref<1x128xi32, #tpu.memory_space<vmem>> -> memref<128xi32, #tpu.memory_space<vmem>>
        %dma_wait3A_78 = arith.constant 0 : i32
        %dma_wait3A_79 = arith.constant 0 : i32
        %dma_wait3A_80 = tpu.memref_slice %arg8[%dma_wait3A_78, %dma_wait3A_79] : memref<10112x16xf32, #tpu.memory_space<vmem_shared>> -> memref<10112x16xf32, #tpu.memory_space<vmem_shared>>
        tpu.wait_indirect_dma semaphore(%run_scoped3A : memref<!tpu.dma_semaphore, #tpu.memory_space<semaphore_mem>>) src(%arg5 : memref<128x16xf32, #tpu.memory_space<vmem>>) dst(%dma_wait3A_80 : memref<10112x16xf32, #tpu.memory_space<vmem_shared>>)
        tpu.yield
      }) : () -> ()
    }
    %scan3A_19 = arith.constant 80 : i32
    %barrier3A_20 = arith.constant 0 : index
    tpu.barrier barrier_id(%barrier3A_20)
    %add3A_21 = arith.constant 0 : i32
    %add3A_22 = arith.addi %mul3A_2, %add3A_21 : i32
    %scan3A_23 = arith.constant 0 : i32
    %scan3A_24 = arith.constant 8 : i32
    %scan3A_25 = arith.addi %scan3A_23, %scan3A_24 : i32
    %scan3A_26 = arith.constant 1 : i32
    scf.for %scan3A_66 = %scan3A_23 to %scan3A_25 step %scan3A_26  : i32 {
      %mul3A_67 = arith.constant 1 : i32
      %mul3A_68 = arith.muli %scan3A_66, %mul3A_67 : i32
      %add3A_69 = arith.constant 0 : i32
      %add3A_70 = arith.addi %add3A_69, %mul3A_68 : i32
      %mul3A_71 = arith.constant 16 : i32
      %mul3A_72 = arith.muli %add3A_70, %mul3A_71 : i32
      %add3A_73 = arith.addi %add3A_22, %mul3A_72 : i32
      %add3A_74 = vector.broadcast %add3A_73 : i32 to vector<16xi32>
      %add3A_75 = arith.addi %add3A_74, %iota3A : vector<16xi32>
      %min3A = arith.constant 10111 : i32
      %min3A_76 = vector.broadcast %min3A : i32 to vector<16xi32>
      %min3A_77 = arith.minsi %add3A_75, %min3A_76 : vector<16xi32>
      %mul3A_78 = arith.constant 16 : i32
      %mul3A_79 = arith.muli %add3A_70, %mul3A_78 : i32
      %swap3A = arith.index_cast %mul3A_79 : i32 to index
      %swap3A_80 = tpu.vector_load %arg7[%swap3A] {strides = array<i32>} : memref<128xi32, #tpu.memory_space<vmem>>, vector<16xi32>,
      %swap3A_81 = vector.shape_cast %swap3A_80 : vector<16xi32> to vector<16xi32>
      %swap3A_82 = vector.shape_cast %min3A_77 : vector<16xi32> to vector<16xi32>
      tpu.vector_store %arg7[%swap3A], %swap3A_82 {strides = array<i32>} : memref<128xi32, #tpu.memory_space<vmem>>, vector<16xi32>,
    }
    %scan3A_27 = arith.constant 8 : i32
    "tpu.region"() ({
      %run_scoped3A = tpu.sem_alloc : memref<!tpu.dma_semaphore, #tpu.memory_space<semaphore_mem>>
      %dma_start3A = arith.constant 0 : i32
      %dma_start3A_66 = arith.constant 0 : i32
      %dma_start3A_67 = tpu.memref_slice %arg8[%dma_start3A, %dma_start3A_66] : memref<10112x16xf32, #tpu.memory_space<vmem_shared>> -> memref<10112x16xf32, #tpu.memory_space<vmem_shared>>
      tpu.enqueue_indirect_dma source(%dma_start3A_67 : memref<10112x16xf32, #tpu.memory_space<vmem_shared>>) target(%arg6 : memref<128x16xf32, #tpu.memory_space<vmem>>) offsets(%arg7 : memref<128xi32, #tpu.memory_space<vmem>>) semaphore(%run_scoped3A : memref<!tpu.dma_semaphore, #tpu.memory_space<semaphore_mem>>)
      %dma_wait3A = arith.constant 0 : i32
      %dma_wait3A_68 = arith.constant 0 : i32
      %dma_wait3A_69 = tpu.memref_slice %arg8[%dma_wait3A, %dma_wait3A_68] : memref<10112x16xf32, #tpu.memory_space<vmem_shared>> -> memref<10112x16xf32, #tpu.memory_space<vmem_shared>>
      tpu.wait_indirect_dma semaphore(%run_scoped3A : memref<!tpu.dma_semaphore, #tpu.memory_space<semaphore_mem>>) src(%dma_wait3A_69 : memref<10112x16xf32, #tpu.memory_space<vmem_shared>>) dst(%arg6 : memref<128x16xf32, #tpu.memory_space<vmem>>)
      tpu.yield
    }) : () -> ()
    %add3A_28 = arith.constant 0 : i32
    %add3A_29 = arith.addi %mul3A_2, %add3A_28 : i32
    "tpu.region"() ({
      %run_scoped3A = tpu.sem_alloc : memref<!tpu.dma_semaphore, #tpu.memory_space<semaphore_mem>>
      %dma_start3A = arith.constant 0 : i32
      %dma_start3A_66 = arith.constant 0 : i32
      %dma_start3A_67 = tpu.memref_slice %arg6[%dma_start3A, %dma_start3A_66] : memref<128x16xf32, #tpu.memory_space<vmem>> -> memref<128x16xf32, #tpu.memory_space<vmem>>
      %dma_start3A_68 = arith.constant 0 : i32
      %dma_start3A_69 = tpu.memref_slice %arg3[%arg0, %add3A_29, %dma_start3A_68] : memref<2x10112x16xf32, #tpu.memory_space<hbm>> -> memref<1x128x16xf32, #tpu.memory_space<hbm>>
      %dma_start3A_70 = tpu.memref_squeeze %dma_start3A_69 : memref<1x128x16xf32, #tpu.memory_space<hbm>> -> memref<128x16xf32, #tpu.memory_space<hbm>>
      %dma_start3A_71 = arith.constant 0 : i32
      %dma_start3A_72 = tpu.memref_slice %arg3[%arg0, %add3A_29, %dma_start3A_71] : memref<2x10112x16xf32, #tpu.memory_space<hbm>> -> memref<1x128x16xf32, #tpu.memory_space<hbm>>
      %dma_start3A_73 = tpu.memref_squeeze %dma_start3A_72 : memref<1x128x16xf32, #tpu.memory_space<hbm>> -> memref<128x16xf32, #tpu.memory_space<hbm>>
      %dma_start3A_74 = arith.constant 0 : i32
      %dma_start3A_75 = arith.constant 0 : i32
      %dma_start3A_76 = tpu.memref_slice %arg6[%dma_start3A_74, %dma_start3A_75] : memref<128x16xf32, #tpu.memory_space<vmem>> -> memref<128x16xf32, #tpu.memory_space<vmem>>
      tpu.enqueue_dma source(%dma_start3A_76 : memref<128x16xf32, #tpu.memory_space<vmem>>) target(%dma_start3A_73 : memref<128x16xf32, #tpu.memory_space<hbm>>) target_semaphore(%run_scoped3A : memref<!tpu.dma_semaphore, #tpu.memory_space<semaphore_mem>>)
      %dma_wait3A = arith.constant 0 : i32
      %dma_wait3A_77 = arith.constant 0 : i32
      %dma_wait3A_78 = tpu.memref_slice %arg6[%dma_wait3A, %dma_wait3A_77] : memref<128x16xf32, #tpu.memory_space<vmem>> -> memref<128x16xf32, #tpu.memory_space<vmem>>
      %dma_wait3A_79 = arith.constant 0 : i32
      %dma_wait3A_80 = tpu.memref_slice %arg3[%arg0, %add3A_29, %dma_wait3A_79] : memref<2x10112x16xf32, #tpu.memory_space<hbm>> -> memref<1x128x16xf32, #tpu.memory_space<hbm>>
      %dma_wait3A_81 = tpu.memref_squeeze %dma_wait3A_80 : memref<1x128x16xf32, #tpu.memory_space<hbm>> -> memref<128x16xf32, #tpu.memory_space<hbm>>
      %dma_wait3A_82 = arith.constant 0 : i32
      %dma_wait3A_83 = tpu.memref_slice %arg3[%arg0, %add3A_29, %dma_wait3A_82] : memref<2x10112x16xf32, #tpu.memory_space<hbm>> -> memref<1x128x16xf32, #tpu.memory_space<hbm>>
      %dma_wait3A_84 = tpu.memref_squeeze %dma_wait3A_83 : memref<1x128x16xf32, #tpu.memory_space<hbm>> -> memref<128x16xf32, #tpu.memory_space<hbm>>
      %dma_wait3A_85 = arith.constant 0 : i32
      %dma_wait3A_86 = arith.constant 0 : i32
      %dma_wait3A_87 = tpu.memref_slice %arg6[%dma_wait3A_85, %dma_wait3A_86] : memref<128x16xf32, #tpu.memory_space<vmem>> -> memref<128x16xf32, #tpu.memory_space<vmem>>
      tpu.wait_dma2 semaphore(%run_scoped3A : memref<!tpu.dma_semaphore, #tpu.memory_space<semaphore_mem>>) src(%dma_wait3A_87 : memref<128x16xf32, #tpu.memory_space<vmem>>) dst(%dma_wait3A_84 : memref<128x16xf32, #tpu.memory_space<hbm>>)
      tpu.yield
    }) : () -> ()
    %add3A_30 = arith.constant 128 : i32
    %add3A_31 = arith.addi %mul3A_2, %add3A_30 : i32
    %scan3A_32 = arith.constant 0 : i32
    %scan3A_33 = arith.constant 8 : i32
    %scan3A_34 = arith.addi %scan3A_32, %scan3A_33 : i32
    %scan3A_35 = arith.constant 1 : i32
    scf.for %scan3A_66 = %scan3A_32 to %scan3A_34 step %scan3A_35  : i32 {
      %mul3A_67 = arith.constant 1 : i32
      %mul3A_68 = arith.muli %scan3A_66, %mul3A_67 : i32
      %add3A_69 = arith.constant 0 : i32
      %add3A_70 = arith.addi %add3A_69, %mul3A_68 : i32
      %mul3A_71 = arith.constant 16 : i32
      %mul3A_72 = arith.muli %add3A_70, %mul3A_71 : i32
      %add3A_73 = arith.addi %add3A_31, %mul3A_72 : i32
      %add3A_74 = vector.broadcast %add3A_73 : i32 to vector<16xi32>
      %add3A_75 = arith.addi %add3A_74, %iota3A : vector<16xi32>
      %min3A = arith.constant 10111 : i32
      %min3A_76 = vector.broadcast %min3A : i32 to vector<16xi32>
      %min3A_77 = arith.minsi %add3A_75, %min3A_76 : vector<16xi32>
      %mul3A_78 = arith.constant 16 : i32
      %mul3A_79 = arith.muli %add3A_70, %mul3A_78 : i32
      %swap3A = arith.index_cast %mul3A_79 : i32 to index
      %swap3A_80 = tpu.vector_load %arg7[%swap3A] {strides = array<i32>} : memref<128xi32, #tpu.memory_space<vmem>>, vector<16xi32>,
      %swap3A_81 = vector.shape_cast %swap3A_80 : vector<16xi32> to vector<16xi32>
      %swap3A_82 = vector.shape_cast %min3A_77 : vector<16xi32> to vector<16xi32>
      tpu.vector_store %arg7[%swap3A], %swap3A_82 {strides = array<i32>} : memref<128xi32, #tpu.memory_space<vmem>>, vector<16xi32>,
    }
    %scan3A_36 = arith.constant 8 : i32
    "tpu.region"() ({
      %run_scoped3A = tpu.sem_alloc : memref<!tpu.dma_semaphore, #tpu.memory_space<semaphore_mem>>
      %dma_start3A = arith.constant 0 : i32
      %dma_start3A_66 = arith.constant 0 : i32
      %dma_start3A_67 = tpu.memref_slice %arg8[%dma_start3A, %dma_start3A_66] : memref<10112x16xf32, #tpu.memory_space<vmem_shared>> -> memref<10112x16xf32, #tpu.memory_space<vmem_shared>>
      tpu.enqueue_indirect_dma source(%dma_start3A_67 : memref<10112x16xf32, #tpu.memory_space<vmem_shared>>) target(%arg6 : memref<128x16xf32, #tpu.memory_space<vmem>>) offsets(%arg7 : memref<128xi32, #tpu.memory_space<vmem>>) semaphore(%run_scoped3A : memref<!tpu.dma_semaphore, #tpu.memory_space<semaphore_mem>>)
      %dma_wait3A = arith.constant 0 : i32
      %dma_wait3A_68 = arith.constant 0 : i32
      %dma_wait3A_69 = tpu.memref_slice %arg8[%dma_wait3A, %dma_wait3A_68] : memref<10112x16xf32, #tpu.memory_space<vmem_shared>> -> memref<10112x16xf32, #tpu.memory_space<vmem_shared>>
      tpu.wait_indirect_dma semaphore(%run_scoped3A : memref<!tpu.dma_semaphore, #tpu.memory_space<semaphore_mem>>) src(%dma_wait3A_69 : memref<10112x16xf32, #tpu.memory_space<vmem_shared>>) dst(%arg6 : memref<128x16xf32, #tpu.memory_space<vmem>>)
      tpu.yield
    }) : () -> ()
    %add3A_37 = arith.constant 128 : i32
    %add3A_38 = arith.addi %mul3A_2, %add3A_37 : i32
    "tpu.region"() ({
      %run_scoped3A = tpu.sem_alloc : memref<!tpu.dma_semaphore, #tpu.memory_space<semaphore_mem>>
      %dma_start3A = arith.constant 0 : i32
      %dma_start3A_66 = arith.constant 0 : i32
      %dma_start3A_67 = tpu.memref_slice %arg6[%dma_start3A, %dma_start3A_66] : memref<128x16xf32, #tpu.memory_space<vmem>> -> memref<128x16xf32, #tpu.memory_space<vmem>>
      %dma_start3A_68 = arith.constant 0 : i32
      %dma_start3A_69 = tpu.memref_slice %arg3[%arg0, %add3A_38, %dma_start3A_68] : memref<2x10112x16xf32, #tpu.memory_space<hbm>> -> memref<1x128x16xf32, #tpu.memory_space<hbm>>
      %dma_start3A_70 = tpu.memref_squeeze %dma_start3A_69 : memref<1x128x16xf32, #tpu.memory_space<hbm>> -> memref<128x16xf32, #tpu.memory_space<hbm>>
      %dma_start3A_71 = arith.constant 0 : i32
      %dma_start3A_72 = tpu.memref_slice %arg3[%arg0, %add3A_38, %dma_start3A_71] : memref<2x10112x16xf32, #tpu.memory_space<hbm>> -> memref<1x128x16xf32, #tpu.memory_space<hbm>>
      %dma_start3A_73 = tpu.memref_squeeze %dma_start3A_72 : memref<1x128x16xf32, #tpu.memory_space<hbm>> -> memref<128x16xf32, #tpu.memory_space<hbm>>
      %dma_start3A_74 = arith.constant 0 : i32
      %dma_start3A_75 = arith.constant 0 : i32
      %dma_start3A_76 = tpu.memref_slice %arg6[%dma_start3A_74, %dma_start3A_75] : memref<128x16xf32, #tpu.memory_space<vmem>> -> memref<128x16xf32, #tpu.memory_space<vmem>>
      tpu.enqueue_dma source(%dma_start3A_76 : memref<128x16xf32, #tpu.memory_space<vmem>>) target(%dma_start3A_73 : memref<128x16xf32, #tpu.memory_space<hbm>>) target_semaphore(%run_scoped3A : memref<!tpu.dma_semaphore, #tpu.memory_space<semaphore_mem>>)
      %dma_wait3A = arith.constant 0 : i32
      %dma_wait3A_77 = arith.constant 0 : i32
      %dma_wait3A_78 = tpu.memref_slice %arg6[%dma_wait3A, %dma_wait3A_77] : memref<128x16xf32, #tpu.memory_space<vmem>> -> memref<128x16xf32, #tpu.memory_space<vmem>>
      %dma_wait3A_79 = arith.constant 0 : i32
      %dma_wait3A_80 = tpu.memref_slice %arg3[%arg0, %add3A_38, %dma_wait3A_79] : memref<2x10112x16xf32, #tpu.memory_space<hbm>> -> memref<1x128x16xf32, #tpu.memory_space<hbm>>
      %dma_wait3A_81 = tpu.memref_squeeze %dma_wait3A_80 : memref<1x128x16xf32, #tpu.memory_space<hbm>> -> memref<128x16xf32, #tpu.memory_space<hbm>>
      %dma_wait3A_82 = arith.constant 0 : i32
      %dma_wait3A_83 = tpu.memref_slice %arg3[%arg0, %add3A_38, %dma_wait3A_82] : memref<2x10112x16xf32, #tpu.memory_space<hbm>> -> memref<1x128x16xf32, #tpu.memory_space<hbm>>
      %dma_wait3A_84 = tpu.memref_squeeze %dma_wait3A_83 : memref<1x128x16xf32, #tpu.memory_space<hbm>> -> memref<128x16xf32, #tpu.memory_space<hbm>>
      %dma_wait3A_85 = arith.constant 0 : i32
      %dma_wait3A_86 = arith.constant 0 : i32
      %dma_wait3A_87 = tpu.memref_slice %arg6[%dma_wait3A_85, %dma_wait3A_86] : memref<128x16xf32, #tpu.memory_space<vmem>> -> memref<128x16xf32, #tpu.memory_space<vmem>>
      tpu.wait_dma2 semaphore(%run_scoped3A : memref<!tpu.dma_semaphore, #tpu.memory_space<semaphore_mem>>) src(%dma_wait3A_87 : memref<128x16xf32, #tpu.memory_space<vmem>>) dst(%dma_wait3A_84 : memref<128x16xf32, #tpu.memory_space<hbm>>)
      tpu.yield
    }) : () -> ()
    %add3A_39 = arith.constant 256 : i32
    %add3A_40 = arith.addi %mul3A_2, %add3A_39 : i32
    %scan3A_41 = arith.constant 0 : i32
    %scan3A_42 = arith.constant 8 : i32
    %scan3A_43 = arith.addi %scan3A_41, %scan3A_42 : i32
    %scan3A_44 = arith.constant 1 : i32
    scf.for %scan3A_66 = %scan3A_41 to %scan3A_43 step %scan3A_44  : i32 {
      %mul3A_67 = arith.constant 1 : i32
      %mul3A_68 = arith.muli %scan3A_66, %mul3A_67 : i32
      %add3A_69 = arith.constant 0 : i32
      %add3A_70 = arith.addi %add3A_69, %mul3A_68 : i32
      %mul3A_71 = arith.constant 16 : i32
      %mul3A_72 = arith.muli %add3A_70, %mul3A_71 : i32
      %add3A_73 = arith.addi %add3A_40, %mul3A_72 : i32
      %add3A_74 = vector.broadcast %add3A_73 : i32 to vector<16xi32>
      %add3A_75 = arith.addi %add3A_74, %iota3A : vector<16xi32>
      %min3A = arith.constant 10111 : i32
      %min3A_76 = vector.broadcast %min3A : i32 to vector<16xi32>
      %min3A_77 = arith.minsi %add3A_75, %min3A_76 : vector<16xi32>
      %mul3A_78 = arith.constant 16 : i32
      %mul3A_79 = arith.muli %add3A_70, %mul3A_78 : i32
      %swap3A = arith.index_cast %mul3A_79 : i32 to index
      %swap3A_80 = tpu.vector_load %arg7[%swap3A] {strides = array<i32>} : memref<128xi32, #tpu.memory_space<vmem>>, vector<16xi32>,
      %swap3A_81 = vector.shape_cast %swap3A_80 : vector<16xi32> to vector<16xi32>
      %swap3A_82 = vector.shape_cast %min3A_77 : vector<16xi32> to vector<16xi32>
      tpu.vector_store %arg7[%swap3A], %swap3A_82 {strides = array<i32>} : memref<128xi32, #tpu.memory_space<vmem>>, vector<16xi32>,
    }
    %scan3A_45 = arith.constant 8 : i32
    "tpu.region"() ({
      %run_scoped3A = tpu.sem_alloc : memref<!tpu.dma_semaphore, #tpu.memory_space<semaphore_mem>>
      %dma_start3A = arith.constant 0 : i32
      %dma_start3A_66 = arith.constant 0 : i32
      %dma_start3A_67 = tpu.memref_slice %arg8[%dma_start3A, %dma_start3A_66] : memref<10112x16xf32, #tpu.memory_space<vmem_shared>> -> memref<10112x16xf32, #tpu.memory_space<vmem_shared>>
      tpu.enqueue_indirect_dma source(%dma_start3A_67 : memref<10112x16xf32, #tpu.memory_space<vmem_shared>>) target(%arg6 : memref<128x16xf32, #tpu.memory_space<vmem>>) offsets(%arg7 : memref<128xi32, #tpu.memory_space<vmem>>) semaphore(%run_scoped3A : memref<!tpu.dma_semaphore, #tpu.memory_space<semaphore_mem>>)
      %dma_wait3A = arith.constant 0 : i32
      %dma_wait3A_68 = arith.constant 0 : i32
      %dma_wait3A_69 = tpu.memref_slice %arg8[%dma_wait3A, %dma_wait3A_68] : memref<10112x16xf32, #tpu.memory_space<vmem_shared>> -> memref<10112x16xf32, #tpu.memory_space<vmem_shared>>
      tpu.wait_indirect_dma semaphore(%run_scoped3A : memref<!tpu.dma_semaphore, #tpu.memory_space<semaphore_mem>>) src(%dma_wait3A_69 : memref<10112x16xf32, #tpu.memory_space<vmem_shared>>) dst(%arg6 : memref<128x16xf32, #tpu.memory_space<vmem>>)
      tpu.yield
    }) : () -> ()
    %add3A_46 = arith.constant 256 : i32
    %add3A_47 = arith.addi %mul3A_2, %add3A_46 : i32
    "tpu.region"() ({
      %run_scoped3A = tpu.sem_alloc : memref<!tpu.dma_semaphore, #tpu.memory_space<semaphore_mem>>
      %dma_start3A = arith.constant 0 : i32
      %dma_start3A_66 = arith.constant 0 : i32
      %dma_start3A_67 = tpu.memref_slice %arg6[%dma_start3A, %dma_start3A_66] : memref<128x16xf32, #tpu.memory_space<vmem>> -> memref<128x16xf32, #tpu.memory_space<vmem>>
      %dma_start3A_68 = arith.constant 0 : i32
      %dma_start3A_69 = tpu.memref_slice %arg3[%arg0, %add3A_47, %dma_start3A_68] : memref<2x10112x16xf32, #tpu.memory_space<hbm>> -> memref<1x128x16xf32, #tpu.memory_space<hbm>>
      %dma_start3A_70 = tpu.memref_squeeze %dma_start3A_69 : memref<1x128x16xf32, #tpu.memory_space<hbm>> -> memref<128x16xf32, #tpu.memory_space<hbm>>
      %dma_start3A_71 = arith.constant 0 : i32
      %dma_start3A_72 = tpu.memref_slice %arg3[%arg0, %add3A_47, %dma_start3A_71] : memref<2x10112x16xf32, #tpu.memory_space<hbm>> -> memref<1x128x16xf32, #tpu.memory_space<hbm>>
      %dma_start3A_73 = tpu.memref_squeeze %dma_start3A_72 : memref<1x128x16xf32, #tpu.memory_space<hbm>> -> memref<128x16xf32, #tpu.memory_space<hbm>>
      %dma_start3A_74 = arith.constant 0 : i32
      %dma_start3A_75 = arith.constant 0 : i32
      %dma_start3A_76 = tpu.memref_slice %arg6[%dma_start3A_74, %dma_start3A_75] : memref<128x16xf32, #tpu.memory_space<vmem>> -> memref<128x16xf32, #tpu.memory_space<vmem>>
      tpu.enqueue_dma source(%dma_start3A_76 : memref<128x16xf32, #tpu.memory_space<vmem>>) target(%dma_start3A_73 : memref<128x16xf32, #tpu.memory_space<hbm>>) target_semaphore(%run_scoped3A : memref<!tpu.dma_semaphore, #tpu.memory_space<semaphore_mem>>)
      %dma_wait3A = arith.constant 0 : i32
      %dma_wait3A_77 = arith.constant 0 : i32
      %dma_wait3A_78 = tpu.memref_slice %arg6[%dma_wait3A, %dma_wait3A_77] : memref<128x16xf32, #tpu.memory_space<vmem>> -> memref<128x16xf32, #tpu.memory_space<vmem>>
      %dma_wait3A_79 = arith.constant 0 : i32
      %dma_wait3A_80 = tpu.memref_slice %arg3[%arg0, %add3A_47, %dma_wait3A_79] : memref<2x10112x16xf32, #tpu.memory_space<hbm>> -> memref<1x128x16xf32, #tpu.memory_space<hbm>>
      %dma_wait3A_81 = tpu.memref_squeeze %dma_wait3A_80 : memref<1x128x16xf32, #tpu.memory_space<hbm>> -> memref<128x16xf32, #tpu.memory_space<hbm>>
      %dma_wait3A_82 = arith.constant 0 : i32
      %dma_wait3A_83 = tpu.memref_slice %arg3[%arg0, %add3A_47, %dma_wait3A_82] : memref<2x10112x16xf32, #tpu.memory_space<hbm>> -> memref<1x128x16xf32, #tpu.memory_space<hbm>>
      %dma_wait3A_84 = tpu.memref_squeeze %dma_wait3A_83 : memref<1x128x16xf32, #tpu.memory_space<hbm>> -> memref<128x16xf32, #tpu.memory_space<hbm>>
      %dma_wait3A_85 = arith.constant 0 : i32
      %dma_wait3A_86 = arith.constant 0 : i32
      %dma_wait3A_87 = tpu.memref_slice %arg6[%dma_wait3A_85, %dma_wait3A_86] : memref<128x16xf32, #tpu.memory_space<vmem>> -> memref<128x16xf32, #tpu.memory_space<vmem>>
      tpu.wait_dma2 semaphore(%run_scoped3A : memref<!tpu.dma_semaphore, #tpu.memory_space<semaphore_mem>>) src(%dma_wait3A_87 : memref<128x16xf32, #tpu.memory_space<vmem>>) dst(%dma_wait3A_84 : memref<128x16xf32, #tpu.memory_space<hbm>>)
      tpu.yield
    }) : () -> ()
    %add3A_48 = arith.constant 384 : i32
    %add3A_49 = arith.addi %mul3A_2, %add3A_48 : i32
    %scan3A_50 = arith.constant 0 : i32
    %scan3A_51 = arith.constant 8 : i32
    %scan3A_52 = arith.addi %scan3A_50, %scan3A_51 : i32
    %scan3A_53 = arith.constant 1 : i32
    scf.for %scan3A_66 = %scan3A_50 to %scan3A_52 step %scan3A_53  : i32 {
      %mul3A_67 = arith.constant 1 : i32
      %mul3A_68 = arith.muli %scan3A_66, %mul3A_67 : i32
      %add3A_69 = arith.constant 0 : i32
      %add3A_70 = arith.addi %add3A_69, %mul3A_68 : i32
      %mul3A_71 = arith.constant 16 : i32
      %mul3A_72 = arith.muli %add3A_70, %mul3A_71 : i32
      %add3A_73 = arith.addi %add3A_49, %mul3A_72 : i32
      %add3A_74 = vector.broadcast %add3A_73 : i32 to vector<16xi32>
      %add3A_75 = arith.addi %add3A_74, %iota3A : vector<16xi32>
      %min3A = arith.constant 10111 : i32
      %min3A_76 = vector.broadcast %min3A : i32 to vector<16xi32>
      %min3A_77 = arith.minsi %add3A_75, %min3A_76 : vector<16xi32>
      %mul3A_78 = arith.constant 16 : i32
      %mul3A_79 = arith.muli %add3A_70, %mul3A_78 : i32
      %swap3A = arith.index_cast %mul3A_79 : i32 to index
      %swap3A_80 = tpu.vector_load %arg7[%swap3A] {strides = array<i32>} : memref<128xi32, #tpu.memory_space<vmem>>, vector<16xi32>,
      %swap3A_81 = vector.shape_cast %swap3A_80 : vector<16xi32> to vector<16xi32>
      %swap3A_82 = vector.shape_cast %min3A_77 : vector<16xi32> to vector<16xi32>
      tpu.vector_store %arg7[%swap3A], %swap3A_82 {strides = array<i32>} : memref<128xi32, #tpu.memory_space<vmem>>, vector<16xi32>,
    }
    %scan3A_54 = arith.constant 8 : i32
    "tpu.region"() ({
      %run_scoped3A = tpu.sem_alloc : memref<!tpu.dma_semaphore, #tpu.memory_space<semaphore_mem>>
      %dma_start3A = arith.constant 0 : i32
      %dma_start3A_66 = arith.constant 0 : i32
      %dma_start3A_67 = tpu.memref_slice %arg8[%dma_start3A, %dma_start3A_66] : memref<10112x16xf32, #tpu.memory_space<vmem_shared>> -> memref<10112x16xf32, #tpu.memory_space<vmem_shared>>
      tpu.enqueue_indirect_dma source(%dma_start3A_67 : memref<10112x16xf32, #tpu.memory_space<vmem_shared>>) target(%arg6 : memref<128x16xf32, #tpu.memory_space<vmem>>) offsets(%arg7 : memref<128xi32, #tpu.memory_space<vmem>>) semaphore(%run_scoped3A : memref<!tpu.dma_semaphore, #tpu.memory_space<semaphore_mem>>)
      %dma_wait3A = arith.constant 0 : i32
      %dma_wait3A_68 = arith.constant 0 : i32
      %dma_wait3A_69 = tpu.memref_slice %arg8[%dma_wait3A, %dma_wait3A_68] : memref<10112x16xf32, #tpu.memory_space<vmem_shared>> -> memref<10112x16xf32, #tpu.memory_space<vmem_shared>>
      tpu.wait_indirect_dma semaphore(%run_scoped3A : memref<!tpu.dma_semaphore, #tpu.memory_space<semaphore_mem>>) src(%dma_wait3A_69 : memref<10112x16xf32, #tpu.memory_space<vmem_shared>>) dst(%arg6 : memref<128x16xf32, #tpu.memory_space<vmem>>)
      tpu.yield
    }) : () -> ()
    %add3A_55 = arith.constant 384 : i32
    %add3A_56 = arith.addi %mul3A_2, %add3A_55 : i32
    "tpu.region"() ({
      %run_scoped3A = tpu.sem_alloc : memref<!tpu.dma_semaphore, #tpu.memory_space<semaphore_mem>>
      %dma_start3A = arith.constant 0 : i32
      %dma_start3A_66 = arith.constant 0 : i32
      %dma_start3A_67 = tpu.memref_slice %arg6[%dma_start3A, %dma_start3A_66] : memref<128x16xf32, #tpu.memory_space<vmem>> -> memref<128x16xf32, #tpu.memory_space<vmem>>
      %dma_start3A_68 = arith.constant 0 : i32
      %dma_start3A_69 = tpu.memref_slice %arg3[%arg0, %add3A_56, %dma_start3A_68] : memref<2x10112x16xf32, #tpu.memory_space<hbm>> -> memref<1x128x16xf32, #tpu.memory_space<hbm>>
      %dma_start3A_70 = tpu.memref_squeeze %dma_start3A_69 : memref<1x128x16xf32, #tpu.memory_space<hbm>> -> memref<128x16xf32, #tpu.memory_space<hbm>>
      %dma_start3A_71 = arith.constant 0 : i32
      %dma_start3A_72 = tpu.memref_slice %arg3[%arg0, %add3A_56, %dma_start3A_71] : memref<2x10112x16xf32, #tpu.memory_space<hbm>> -> memref<1x128x16xf32, #tpu.memory_space<hbm>>
      %dma_start3A_73 = tpu.memref_squeeze %dma_start3A_72 : memref<1x128x16xf32, #tpu.memory_space<hbm>> -> memref<128x16xf32, #tpu.memory_space<hbm>>
      %dma_start3A_74 = arith.constant 0 : i32
      %dma_start3A_75 = arith.constant 0 : i32
      %dma_start3A_76 = tpu.memref_slice %arg6[%dma_start3A_74, %dma_start3A_75] : memref<128x16xf32, #tpu.memory_space<vmem>> -> memref<128x16xf32, #tpu.memory_space<vmem>>
      tpu.enqueue_dma source(%dma_start3A_76 : memref<128x16xf32, #tpu.memory_space<vmem>>) target(%dma_start3A_73 : memref<128x16xf32, #tpu.memory_space<hbm>>) target_semaphore(%run_scoped3A : memref<!tpu.dma_semaphore, #tpu.memory_space<semaphore_mem>>)
      %dma_wait3A = arith.constant 0 : i32
      %dma_wait3A_77 = arith.constant 0 : i32
      %dma_wait3A_78 = tpu.memref_slice %arg6[%dma_wait3A, %dma_wait3A_77] : memref<128x16xf32, #tpu.memory_space<vmem>> -> memref<128x16xf32, #tpu.memory_space<vmem>>
      %dma_wait3A_79 = arith.constant 0 : i32
      %dma_wait3A_80 = tpu.memref_slice %arg3[%arg0, %add3A_56, %dma_wait3A_79] : memref<2x10112x16xf32, #tpu.memory_space<hbm>> -> memref<1x128x16xf32, #tpu.memory_space<hbm>>
      %dma_wait3A_81 = tpu.memref_squeeze %dma_wait3A_80 : memref<1x128x16xf32, #tpu.memory_space<hbm>> -> memref<128x16xf32, #tpu.memory_space<hbm>>
      %dma_wait3A_82 = arith.constant 0 : i32
      %dma_wait3A_83 = tpu.memref_slice %arg3[%arg0, %add3A_56, %dma_wait3A_82] : memref<2x10112x16xf32, #tpu.memory_space<hbm>> -> memref<1x128x16xf32, #tpu.memory_space<hbm>>
      %dma_wait3A_84 = tpu.memref_squeeze %dma_wait3A_83 : memref<1x128x16xf32, #tpu.memory_space<hbm>> -> memref<128x16xf32, #tpu.memory_space<hbm>>
      %dma_wait3A_85 = arith.constant 0 : i32
      %dma_wait3A_86 = arith.constant 0 : i32
      %dma_wait3A_87 = tpu.memref_slice %arg6[%dma_wait3A_85, %dma_wait3A_86] : memref<128x16xf32, #tpu.memory_space<vmem>> -> memref<128x16xf32, #tpu.memory_space<vmem>>
      tpu.wait_dma2 semaphore(%run_scoped3A : memref<!tpu.dma_semaphore, #tpu.memory_space<semaphore_mem>>) src(%dma_wait3A_87 : memref<128x16xf32, #tpu.memory_space<vmem>>) dst(%dma_wait3A_84 : memref<128x16xf32, #tpu.memory_space<hbm>>)
      tpu.yield
    }) : () -> ()
    %add3A_57 = arith.constant 512 : i32
    %add3A_58 = arith.addi %mul3A_2, %add3A_57 : i32
    %scan3A_59 = arith.constant 0 : i32
    %scan3A_60 = arith.constant 8 : i32
    %scan3A_61 = arith.addi %scan3A_59, %scan3A_60 : i32
    %scan3A_62 = arith.constant 1 : i32
    scf.for %scan3A_66 = %scan3A_59 to %scan3A_61 step %scan3A_62  : i32 {
      %mul3A_67 = arith.constant 1 : i32
      %mul3A_68 = arith.muli %scan3A_66, %mul3A_67 : i32
      %add3A_69 = arith.constant 0 : i32
      %add3A_70 = arith.addi %add3A_69, %mul3A_68 : i32
      %mul3A_71 = arith.constant 16 : i32
      %mul3A_72 = arith.muli %add3A_70, %mul3A_71 : i32
      %add3A_73 = arith.addi %add3A_58, %mul3A_72 : i32
      %add3A_74 = vector.broadcast %add3A_73 : i32 to vector<16xi32>
      %add3A_75 = arith.addi %add3A_74, %iota3A : vector<16xi32>
      %min3A = arith.constant 10111 : i32
      %min3A_76 = vector.broadcast %min3A : i32 to vector<16xi32>
      %min3A_77 = arith.minsi %add3A_75, %min3A_76 : vector<16xi32>
      %mul3A_78 = arith.constant 16 : i32
      %mul3A_79 = arith.muli %add3A_70, %mul3A_78 : i32
      %swap3A = arith.index_cast %mul3A_79 : i32 to index
      %swap3A_80 = tpu.vector_load %arg7[%swap3A] {strides = array<i32>} : memref<128xi32, #tpu.memory_space<vmem>>, vector<16xi32>,
      %swap3A_81 = vector.shape_cast %swap3A_80 : vector<16xi32> to vector<16xi32>
      %swap3A_82 = vector.shape_cast %min3A_77 : vector<16xi32> to vector<16xi32>
      tpu.vector_store %arg7[%swap3A], %swap3A_82 {strides = array<i32>} : memref<128xi32, #tpu.memory_space<vmem>>, vector<16xi32>,
    }
    %scan3A_63 = arith.constant 8 : i32
    "tpu.region"() ({
      %run_scoped3A = tpu.sem_alloc : memref<!tpu.dma_semaphore, #tpu.memory_space<semaphore_mem>>
      %dma_start3A = arith.constant 0 : i32
      %dma_start3A_66 = arith.constant 0 : i32
      %dma_start3A_67 = tpu.memref_slice %arg8[%dma_start3A, %dma_start3A_66] : memref<10112x16xf32, #tpu.memory_space<vmem_shared>> -> memref<10112x16xf32, #tpu.memory_space<vmem_shared>>
      tpu.enqueue_indirect_dma source(%dma_start3A_67 : memref<10112x16xf32, #tpu.memory_space<vmem_shared>>) target(%arg6 : memref<128x16xf32, #tpu.memory_space<vmem>>) offsets(%arg7 : memref<128xi32, #tpu.memory_space<vmem>>) semaphore(%run_scoped3A : memref<!tpu.dma_semaphore, #tpu.memory_space<semaphore_mem>>)
      %dma_wait3A = arith.constant 0 : i32
      %dma_wait3A_68 = arith.constant 0 : i32
      %dma_wait3A_69 = tpu.memref_slice %arg8[%dma_wait3A, %dma_wait3A_68] : memref<10112x16xf32, #tpu.memory_space<vmem_shared>> -> memref<10112x16xf32, #tpu.memory_space<vmem_shared>>
      tpu.wait_indirect_dma semaphore(%run_scoped3A : memref<!tpu.dma_semaphore, #tpu.memory_space<semaphore_mem>>) src(%dma_wait3A_69 : memref<10112x16xf32, #tpu.memory_space<vmem_shared>>) dst(%arg6 : memref<128x16xf32, #tpu.memory_space<vmem>>)
      tpu.yield
    }) : () -> ()
    %add3A_64 = arith.constant 512 : i32
    %add3A_65 = arith.addi %mul3A_2, %add3A_64 : i32
    "tpu.region"() ({
      %run_scoped3A = tpu.sem_alloc : memref<!tpu.dma_semaphore, #tpu.memory_space<semaphore_mem>>
      %dma_start3A = arith.constant 0 : i32
      %dma_start3A_66 = arith.constant 0 : i32
      %dma_start3A_67 = tpu.memref_slice %arg6[%dma_start3A, %dma_start3A_66] : memref<128x16xf32, #tpu.memory_space<vmem>> -> memref<120x16xf32, #tpu.memory_space<vmem>>
      %dma_start3A_68 = arith.constant 0 : i32
      %dma_start3A_69 = tpu.memref_slice %arg3[%arg0, %add3A_65, %dma_start3A_68] : memref<2x10112x16xf32, #tpu.memory_space<hbm>> -> memref<1x120x16xf32, #tpu.memory_space<hbm>>
      %dma_start3A_70 = tpu.memref_squeeze %dma_start3A_69 : memref<1x120x16xf32, #tpu.memory_space<hbm>> -> memref<120x16xf32, #tpu.memory_space<hbm>>
      %dma_start3A_71 = arith.constant 0 : i32
      %dma_start3A_72 = tpu.memref_slice %arg3[%arg0, %add3A_65, %dma_start3A_71] : memref<2x10112x16xf32, #tpu.memory_space<hbm>> -> memref<1x120x16xf32, #tpu.memory_space<hbm>>
      %dma_start3A_73 = tpu.memref_squeeze %dma_start3A_72 : memref<1x120x16xf32, #tpu.memory_space<hbm>> -> memref<120x16xf32, #tpu.memory_space<hbm>>
      %dma_start3A_74 = arith.constant 0 : i32
      %dma_start3A_75 = arith.constant 0 : i32
      %dma_start3A_76 = tpu.memref_slice %arg6[%dma_start3A_74, %dma_start3A_75] : memref<128x16xf32, #tpu.memory_space<vmem>> -> memref<120x16xf32, #tpu.memory_space<vmem>>
      tpu.enqueue_dma source(%dma_start3A_76 : memref<120x16xf32, #tpu.memory_space<vmem>>) target(%dma_start3A_73 : memref<120x16xf32, #tpu.memory_space<hbm>>) target_semaphore(%run_scoped3A : memref<!tpu.dma_semaphore, #tpu.memory_space<semaphore_mem>>)
      %dma_wait3A = arith.constant 0 : i32
      %dma_wait3A_77 = arith.constant 0 : i32
      %dma_wait3A_78 = tpu.memref_slice %arg6[%dma_wait3A, %dma_wait3A_77] : memref<128x16xf32, #tpu.memory_space<vmem>> -> memref<120x16xf32, #tpu.memory_space<vmem>>
      %dma_wait3A_79 = arith.constant 0 : i32
      %dma_wait3A_80 = tpu.memref_slice %arg3[%arg0, %add3A_65, %dma_wait3A_79] : memref<2x10112x16xf32, #tpu.memory_space<hbm>> -> memref<1x120x16xf32, #tpu.memory_space<hbm>>
      %dma_wait3A_81 = tpu.memref_squeeze %dma_wait3A_80 : memref<1x120x16xf32, #tpu.memory_space<hbm>> -> memref<120x16xf32, #tpu.memory_space<hbm>>
      %dma_wait3A_82 = arith.constant 0 : i32
      %dma_wait3A_83 = tpu.memref_slice %arg3[%arg0, %add3A_65, %dma_wait3A_82] : memref<2x10112x16xf32, #tpu.memory_space<hbm>> -> memref<1x120x16xf32, #tpu.memory_space<hbm>>
      %dma_wait3A_84 = tpu.memref_squeeze %dma_wait3A_83 : memref<1x120x16xf32, #tpu.memory_space<hbm>> -> memref<120x16xf32, #tpu.memory_space<hbm>>
      %dma_wait3A_85 = arith.constant 0 : i32
      %dma_wait3A_86 = arith.constant 0 : i32
      %dma_wait3A_87 = tpu.memref_slice %arg6[%dma_wait3A_85, %dma_wait3A_86] : memref<128x16xf32, #tpu.memory_space<vmem>> -> memref<120x16xf32, #tpu.memory_space<vmem>>
      tpu.wait_dma2 semaphore(%run_scoped3A : memref<!tpu.dma_semaphore, #tpu.memory_space<semaphore_mem>>) src(%dma_wait3A_87 : memref<120x16xf32, #tpu.memory_space<vmem>>) dst(%dma_wait3A_84 : memref<120x16xf32, #tpu.memory_space<hbm>>)
      tpu.yield
    }) : () -> ()
    return
  }
}

#map = affine_map<(d0, d1) -> (0, 0)>
#map1 = affine_map<(d0, d1) -> (0, 0, 0)>
module attributes {stable_mosaic.version = 14 : i64} {
  func.func @gs_kernel(%arg0: i32, %arg1: i32, %arg2: memref<10112x128xf32, #tpu.memory_space<hbm>>, %arg3: memref<32x80x128xi32, #tpu.memory_space<hbm>>, %arg4: memref<327680x128xf32, #tpu.memory_space<hbm>>, %arg5: memref<80x128xi32, #tpu.memory_space<vmem>>, %arg6: memref<128x128xf32, #tpu.memory_space<vmem>>, %arg7: memref<128x128xf32, #tpu.memory_space<vmem>>, %arg8: memref<128xi32, #tpu.memory_space<vmem>>, %arg9: memref<128xi32, #tpu.memory_space<vmem>>, %arg10: memref<!tpu.dma_semaphore, #tpu.memory_space<semaphore_mem>>) attributes {dimension_semantics = [#tpu.dimension_semantics<core_parallel>, #tpu.dimension_semantics<subcore_parallel>], iteration_bounds = array<i64: 2, 16>, scalar_prefetch = 0 : i64, scratch_operands = 6 : i64, tpu.core_type = #tpu.core_type<sc_vector_subcore>, window_params = [{transform_indices = #map}, {transform_indices = #map1}, {transform_indices = #map}]} {
    %mul3A = arith.constant 16 : i32
    %mul3A_0 = arith.muli %arg0, %mul3A : i32
    %add3A = arith.addi %mul3A_0, %arg1 : i32
    "tpu.region"() ({
      %run_scoped3A = tpu.sem_alloc : memref<!tpu.dma_semaphore, #tpu.memory_space<semaphore_mem>>
      %dma_start3A = arith.constant 0 : i32
      %dma_start3A_5 = arith.constant 0 : i32
      %dma_start3A_6 = tpu.memref_slice %arg3[%add3A, %dma_start3A, %dma_start3A_5] : memref<32x80x128xi32, #tpu.memory_space<hbm>> -> memref<1x80x128xi32, #tpu.memory_space<hbm>>
      %dma_start3A_7 = tpu.memref_squeeze %dma_start3A_6 : memref<1x80x128xi32, #tpu.memory_space<hbm>> -> memref<80x128xi32, #tpu.memory_space<hbm>>
      %dma_start3A_8 = arith.constant 0 : i32
      %dma_start3A_9 = arith.constant 0 : i32
      %dma_start3A_10 = tpu.memref_slice %arg3[%add3A, %dma_start3A_8, %dma_start3A_9] : memref<32x80x128xi32, #tpu.memory_space<hbm>> -> memref<1x80x128xi32, #tpu.memory_space<hbm>>
      %dma_start3A_11 = tpu.memref_squeeze %dma_start3A_10 : memref<1x80x128xi32, #tpu.memory_space<hbm>> -> memref<80x128xi32, #tpu.memory_space<hbm>>
      tpu.enqueue_dma source(%dma_start3A_11 : memref<80x128xi32, #tpu.memory_space<hbm>>) target(%arg5 : memref<80x128xi32, #tpu.memory_space<vmem>>) target_semaphore(%run_scoped3A : memref<!tpu.dma_semaphore, #tpu.memory_space<semaphore_mem>>)
      %dma_wait3A = arith.constant 0 : i32
      %dma_wait3A_12 = arith.constant 0 : i32
      %dma_wait3A_13 = tpu.memref_slice %arg3[%add3A, %dma_wait3A, %dma_wait3A_12] : memref<32x80x128xi32, #tpu.memory_space<hbm>> -> memref<1x80x128xi32, #tpu.memory_space<hbm>>
      %dma_wait3A_14 = tpu.memref_squeeze %dma_wait3A_13 : memref<1x80x128xi32, #tpu.memory_space<hbm>> -> memref<80x128xi32, #tpu.memory_space<hbm>>
      %dma_wait3A_15 = arith.constant 0 : i32
      %dma_wait3A_16 = arith.constant 0 : i32
      %dma_wait3A_17 = tpu.memref_slice %arg3[%add3A, %dma_wait3A_15, %dma_wait3A_16] : memref<32x80x128xi32, #tpu.memory_space<hbm>> -> memref<1x80x128xi32, #tpu.memory_space<hbm>>
      %dma_wait3A_18 = tpu.memref_squeeze %dma_wait3A_17 : memref<1x80x128xi32, #tpu.memory_space<hbm>> -> memref<80x128xi32, #tpu.memory_space<hbm>>
      tpu.wait_dma2 semaphore(%run_scoped3A : memref<!tpu.dma_semaphore, #tpu.memory_space<semaphore_mem>>) src(%dma_wait3A_18 : memref<80x128xi32, #tpu.memory_space<hbm>>) dst(%arg5 : memref<80x128xi32, #tpu.memory_space<vmem>>)
      tpu.yield
    }) : () -> ()
    %scan3A = arith.constant 0 : i32
    %scan3A_1 = arith.constant 40 : i32
    %scan3A_2 = arith.addi %scan3A, %scan3A_1 : i32
    %scan3A_3 = arith.constant 1 : i32
    scf.for %scan3A_5 = %scan3A to %scan3A_2 step %scan3A_3  : i32 {
      %mul3A_6 = arith.constant 1 : i32
      %mul3A_7 = arith.muli %scan3A_5, %mul3A_6 : i32
      %add3A_8 = arith.constant 0 : i32
      %add3A_9 = arith.addi %add3A_8, %mul3A_7 : i32
      %mul3A_10 = arith.constant 2 : i32
      %mul3A_11 = arith.muli %mul3A_10, %add3A_9 : i32
      %scan3A_12 = arith.constant 0 : i32
      %scan3A_13 = arith.constant 8 : i32
      %scan3A_14 = arith.addi %scan3A_12, %scan3A_13 : i32
      %scan3A_15 = arith.constant 1 : i32
      scf.for %scan3A_46 = %scan3A_12 to %scan3A_14 step %scan3A_15  : i32 {
        %mul3A_47 = arith.constant 1 : i32
        %mul3A_48 = arith.muli %scan3A_46, %mul3A_47 : i32
        %add3A_49 = arith.constant 0 : i32
        %add3A_50 = arith.addi %add3A_49, %mul3A_48 : i32
        %mul3A_51 = arith.constant 16 : i32
        %mul3A_52 = arith.muli %add3A_50, %mul3A_51 : i32
        %get3A = arith.index_cast %mul3A_11 : i32 to index
        %get3A_53 = arith.index_cast %mul3A_52 : i32 to index
        %get3A_54 = tpu.vector_load %arg5[%get3A, %get3A_53] {strides = array<i32>} : memref<80x128xi32, #tpu.memory_space<vmem>>, vector<1x16xi32>,
        %get3A_55 = vector.shape_cast %get3A_54 : vector<1x16xi32> to vector<16xi32>
        %mul3A_56 = arith.constant 16 : i32
        %mul3A_57 = arith.muli %add3A_50, %mul3A_56 : i32
        %swap3A = arith.index_cast %mul3A_57 : i32 to index
        %swap3A_58 = tpu.vector_load %arg8[%swap3A] {strides = array<i32>} : memref<128xi32, #tpu.memory_space<vmem>>, vector<16xi32>,
        %swap3A_59 = vector.shape_cast %swap3A_58 : vector<16xi32> to vector<16xi32>
        %swap3A_60 = vector.shape_cast %get3A_55 : vector<16xi32> to vector<16xi32>
        tpu.vector_store %arg8[%swap3A], %swap3A_60 {strides = array<i32>} : memref<128xi32, #tpu.memory_space<vmem>>, vector<16xi32>,
      }
      %scan3A_16 = arith.constant 8 : i32
      %dma_start3A = arith.constant 0 : i32
      %dma_start3A_17 = arith.constant 0 : i32
      %dma_start3A_18 = tpu.memref_slice %arg2[%dma_start3A, %dma_start3A_17] : memref<10112x128xf32, #tpu.memory_space<hbm>> -> memref<10112x128xf32, #tpu.memory_space<hbm>>
      tpu.enqueue_indirect_dma source(%dma_start3A_18 : memref<10112x128xf32, #tpu.memory_space<hbm>>) target(%arg6 : memref<128x128xf32, #tpu.memory_space<vmem>>) offsets(%arg8 : memref<128xi32, #tpu.memory_space<vmem>>) semaphore(%arg10 : memref<!tpu.dma_semaphore, #tpu.memory_space<semaphore_mem>>)
      %dma_wait3A = arith.constant 0 : i32
      %dma_wait3A_19 = arith.constant 0 : i32
      %dma_wait3A_20 = tpu.memref_slice %arg2[%dma_wait3A, %dma_wait3A_19] : memref<10112x128xf32, #tpu.memory_space<hbm>> -> memref<10112x128xf32, #tpu.memory_space<hbm>>
      tpu.wait_indirect_dma semaphore(%arg10 : memref<!tpu.dma_semaphore, #tpu.memory_space<semaphore_mem>>) src(%dma_wait3A_20 : memref<10112x128xf32, #tpu.memory_space<hbm>>) dst(%arg6 : memref<128x128xf32, #tpu.memory_space<vmem>>)
      %mul3A_21 = arith.constant 10240 : i32
      %mul3A_22 = arith.muli %add3A, %mul3A_21 : i32
      %mul3A_23 = arith.constant 128 : i32
      %mul3A_24 = arith.muli %mul3A_11, %mul3A_23 : i32
      %add3A_25 = arith.addi %mul3A_22, %mul3A_24 : i32
      "tpu.region"() ({
        %run_scoped3A = tpu.sem_alloc : memref<!tpu.dma_semaphore, #tpu.memory_space<semaphore_mem>>
        %dma_start3A_46 = arith.constant 0 : i32
        %dma_start3A_47 = tpu.memref_slice %arg4[%add3A_25, %dma_start3A_46] : memref<327680x128xf32, #tpu.memory_space<hbm>> -> memref<128x128xf32, #tpu.memory_space<hbm>>
        %dma_start3A_48 = arith.constant 0 : i32
        %dma_start3A_49 = tpu.memref_slice %arg4[%add3A_25, %dma_start3A_48] : memref<327680x128xf32, #tpu.memory_space<hbm>> -> memref<128x128xf32, #tpu.memory_space<hbm>>
        tpu.enqueue_dma source(%arg6 : memref<128x128xf32, #tpu.memory_space<vmem>>) target(%dma_start3A_49 : memref<128x128xf32, #tpu.memory_space<hbm>>) target_semaphore(%run_scoped3A : memref<!tpu.dma_semaphore, #tpu.memory_space<semaphore_mem>>)
        %dma_wait3A_50 = arith.constant 0 : i32
        %dma_wait3A_51 = tpu.memref_slice %arg4[%add3A_25, %dma_wait3A_50] : memref<327680x128xf32, #tpu.memory_space<hbm>> -> memref<128x128xf32, #tpu.memory_space<hbm>>
        %dma_wait3A_52 = arith.constant 0 : i32
        %dma_wait3A_53 = tpu.memref_slice %arg4[%add3A_25, %dma_wait3A_52] : memref<327680x128xf32, #tpu.memory_space<hbm>> -> memref<128x128xf32, #tpu.memory_space<hbm>>
        tpu.wait_dma2 semaphore(%run_scoped3A : memref<!tpu.dma_semaphore, #tpu.memory_space<semaphore_mem>>) src(%arg6 : memref<128x128xf32, #tpu.memory_space<vmem>>) dst(%dma_wait3A_53 : memref<128x128xf32, #tpu.memory_space<hbm>>)
        tpu.yield
      }) : () -> ()
      %mul3A_26 = arith.constant 2 : i32
      %mul3A_27 = arith.muli %mul3A_26, %add3A_9 : i32
      %add3A_28 = arith.constant 1 : i32
      %add3A_29 = arith.addi %mul3A_27, %add3A_28 : i32
      %scan3A_30 = arith.constant 0 : i32
      %scan3A_31 = arith.constant 8 : i32
      %scan3A_32 = arith.addi %scan3A_30, %scan3A_31 : i32
      %scan3A_33 = arith.constant 1 : i32
      scf.for %scan3A_46 = %scan3A_30 to %scan3A_32 step %scan3A_33  : i32 {
        %mul3A_47 = arith.constant 1 : i32
        %mul3A_48 = arith.muli %scan3A_46, %mul3A_47 : i32
        %add3A_49 = arith.constant 0 : i32
        %add3A_50 = arith.addi %add3A_49, %mul3A_48 : i32
        %mul3A_51 = arith.constant 16 : i32
        %mul3A_52 = arith.muli %add3A_50, %mul3A_51 : i32
        %get3A = arith.index_cast %add3A_29 : i32 to index
        %get3A_53 = arith.index_cast %mul3A_52 : i32 to index
        %get3A_54 = tpu.vector_load %arg5[%get3A, %get3A_53] {strides = array<i32>} : memref<80x128xi32, #tpu.memory_space<vmem>>, vector<1x16xi32>,
        %get3A_55 = vector.shape_cast %get3A_54 : vector<1x16xi32> to vector<16xi32>
        %mul3A_56 = arith.constant 16 : i32
        %mul3A_57 = arith.muli %add3A_50, %mul3A_56 : i32
        %swap3A = arith.index_cast %mul3A_57 : i32 to index
        %swap3A_58 = tpu.vector_load %arg9[%swap3A] {strides = array<i32>} : memref<128xi32, #tpu.memory_space<vmem>>, vector<16xi32>,
        %swap3A_59 = vector.shape_cast %swap3A_58 : vector<16xi32> to vector<16xi32>
        %swap3A_60 = vector.shape_cast %get3A_55 : vector<16xi32> to vector<16xi32>
        tpu.vector_store %arg9[%swap3A], %swap3A_60 {strides = array<i32>} : memref<128xi32, #tpu.memory_space<vmem>>, vector<16xi32>,
      }
      %scan3A_34 = arith.constant 8 : i32
      %dma_start3A_35 = arith.constant 0 : i32
      %dma_start3A_36 = arith.constant 0 : i32
      %dma_start3A_37 = tpu.memref_slice %arg2[%dma_start3A_35, %dma_start3A_36] : memref<10112x128xf32, #tpu.memory_space<hbm>> -> memref<10112x128xf32, #tpu.memory_space<hbm>>
      tpu.enqueue_indirect_dma source(%dma_start3A_37 : memref<10112x128xf32, #tpu.memory_space<hbm>>) target(%arg7 : memref<128x128xf32, #tpu.memory_space<vmem>>) offsets(%arg9 : memref<128xi32, #tpu.memory_space<vmem>>) semaphore(%arg10 : memref<!tpu.dma_semaphore, #tpu.memory_space<semaphore_mem>>)
      %dma_wait3A_38 = arith.constant 0 : i32
      %dma_wait3A_39 = arith.constant 0 : i32
      %dma_wait3A_40 = tpu.memref_slice %arg2[%dma_wait3A_38, %dma_wait3A_39] : memref<10112x128xf32, #tpu.memory_space<hbm>> -> memref<10112x128xf32, #tpu.memory_space<hbm>>
      tpu.wait_indirect_dma semaphore(%arg10 : memref<!tpu.dma_semaphore, #tpu.memory_space<semaphore_mem>>) src(%dma_wait3A_40 : memref<10112x128xf32, #tpu.memory_space<hbm>>) dst(%arg7 : memref<128x128xf32, #tpu.memory_space<vmem>>)
      %mul3A_41 = arith.constant 10240 : i32
      %mul3A_42 = arith.muli %add3A, %mul3A_41 : i32
      %mul3A_43 = arith.constant 128 : i32
      %mul3A_44 = arith.muli %add3A_29, %mul3A_43 : i32
      %add3A_45 = arith.addi %mul3A_42, %mul3A_44 : i32
      "tpu.region"() ({
        %run_scoped3A = tpu.sem_alloc : memref<!tpu.dma_semaphore, #tpu.memory_space<semaphore_mem>>
        %dma_start3A_46 = arith.constant 0 : i32
        %dma_start3A_47 = tpu.memref_slice %arg4[%add3A_45, %dma_start3A_46] : memref<327680x128xf32, #tpu.memory_space<hbm>> -> memref<128x128xf32, #tpu.memory_space<hbm>>
        %dma_start3A_48 = arith.constant 0 : i32
        %dma_start3A_49 = tpu.memref_slice %arg4[%add3A_45, %dma_start3A_48] : memref<327680x128xf32, #tpu.memory_space<hbm>> -> memref<128x128xf32, #tpu.memory_space<hbm>>
        tpu.enqueue_dma source(%arg7 : memref<128x128xf32, #tpu.memory_space<vmem>>) target(%dma_start3A_49 : memref<128x128xf32, #tpu.memory_space<hbm>>) target_semaphore(%run_scoped3A : memref<!tpu.dma_semaphore, #tpu.memory_space<semaphore_mem>>)
        %dma_wait3A_50 = arith.constant 0 : i32
        %dma_wait3A_51 = tpu.memref_slice %arg4[%add3A_45, %dma_wait3A_50] : memref<327680x128xf32, #tpu.memory_space<hbm>> -> memref<128x128xf32, #tpu.memory_space<hbm>>
        %dma_wait3A_52 = arith.constant 0 : i32
        %dma_wait3A_53 = tpu.memref_slice %arg4[%add3A_45, %dma_wait3A_52] : memref<327680x128xf32, #tpu.memory_space<hbm>> -> memref<128x128xf32, #tpu.memory_space<hbm>>
        tpu.wait_dma2 semaphore(%run_scoped3A : memref<!tpu.dma_semaphore, #tpu.memory_space<semaphore_mem>>) src(%arg7 : memref<128x128xf32, #tpu.memory_space<vmem>>) dst(%dma_wait3A_53 : memref<128x128xf32, #tpu.memory_space<hbm>>)
        tpu.yield
      }) : () -> ()
    }
    %scan3A_4 = arith.constant 40 : i32
    return
  }
}

module attributes {stable_mosaic.version = 14 : i64} {
  func.func @_prep_body(%arg0: memref<10112x128xf32, #tpu.memory_space<vmem>>, %arg1: memref<128x128xf32, #tpu.memory_space<vmem>>, %arg2: memref<2x10112x16xf32, #tpu.memory_space<vmem>>, %arg3: memref<10112x128xf32, #tpu.memory_space<vmem>>, %arg4: memref<10112x1xf32, #tpu.memory_space<vmem>>) attributes {dimension_semantics = [], scalar_prefetch = 0 : i64, scratch_operands = 0 : i64, tpu.core_type = #tpu.core_type<tc>} {
    %get3A = arith.constant 0 : index
    %get3A_0 = arith.constant 0 : index
    %get3A_1 = arith.constant 0 : index
    %get3A_2 = vector.load %arg2[%get3A, %get3A_0, %get3A_1] : memref<2x10112x16xf32, #tpu.memory_space<vmem>>, vector<2x10112x16xf32>
    %slice3A = vector.extract_strided_slice %get3A_2 {offsets = [0, 0, 0], sizes = [1, 10112, 16], strides = [1, 1, 1]} : vector<2x10112x16xf32> to vector<1x10112x16xf32>
    %squeeze3A = vector.shape_cast %slice3A : vector<1x10112x16xf32> to vector<10112x16xf32>
    %reduce_sum3A = arith.constant dense<0.000000e+00> : vector<10112xf32>
    %reduce_sum3A_3 = vector.multi_reduction <add>, %squeeze3A, %reduce_sum3A [1] : vector<10112x16xf32> to vector<10112xf32>
    %slice3A_4 = vector.extract_strided_slice %get3A_2 {offsets = [1, 0, 0], sizes = [1, 10112, 16], strides = [1, 1, 1]} : vector<2x10112x16xf32> to vector<1x10112x16xf32>
    %squeeze3A_5 = vector.shape_cast %slice3A_4 : vector<1x10112x16xf32> to vector<10112x16xf32>
    %reduce_sum3A_6 = arith.constant dense<0.000000e+00> : vector<10112xf32>
    %reduce_sum3A_7 = vector.multi_reduction <add>, %squeeze3A_5, %reduce_sum3A_6 [1] : vector<10112x16xf32> to vector<10112xf32>
    %add3A = arith.addf %reduce_sum3A_3, %reduce_sum3A_7 : vector<10112xf32>
    %mul3A = arith.constant 6.250000e-02 : f32
    %mul3A_8 = vector.broadcast %mul3A : f32 to vector<10112xf32>
    %mul3A_9 = arith.mulf %add3A, %mul3A_8 : vector<10112xf32>
    %add3A_10 = arith.constant 1.000000e+00 : f32
    %add3A_11 = vector.broadcast %add3A_10 : f32 to vector<10112xf32>
    %add3A_12 = arith.addf %mul3A_9, %add3A_11 : vector<10112xf32>
    %rsqrt3A = math.rsqrt %add3A_12 : vector<10112xf32>
    %get3A_13 = arith.constant 0 : index
    %get3A_14 = arith.constant 0 : index
    %get3A_15 = vector.load %arg0[%get3A_13, %get3A_14] : memref<10112x128xf32, #tpu.memory_space<vmem>>, vector<10112x128xf32>
    %get3A_16 = arith.constant 0 : index
    %get3A_17 = arith.constant 0 : index
    %get3A_18 = vector.load %arg1[%get3A_16, %get3A_17] : memref<128x128xf32, #tpu.memory_space<vmem>>, vector<128x128xf32>
    %dot_general3A = arith.constant dense<0.000000e+00> : vector<10112x128xf32>
    %dot_general3A_19 = tpu.matmul %get3A_15, %get3A_18, %dot_general3A {dimension_numbers = #tpu.dot_dimension_numbers<[1], [0], [0], [1], [0, 0, 1, 1], [], []>, transpose_lhs_hint = false} : vector<10112x128xf32>, vector<128x128xf32>, vector<10112x128xf32> -> vector<10112x128xf32>
    %broadcast_in_dim3A = vector.shape_cast %rsqrt3A : vector<10112xf32> to vector<10112x1xf32>
    %mul3A_20 = vector.broadcast %broadcast_in_dim3A : vector<10112x1xf32> to vector<10112x128xf32>
    %mul3A_21 = arith.mulf %dot_general3A_19, %mul3A_20 : vector<10112x128xf32>
    %swap3A = arith.constant 0 : index
    %swap3A_22 = arith.constant 0 : index
    %swap3A_23 = vector.load %arg3[%swap3A, %swap3A_22] : memref<10112x128xf32, #tpu.memory_space<vmem>>, vector<10112x128xf32>
    tpu.vector_store %arg3[%swap3A, %swap3A_22], %mul3A_21 {strides = array<i32>} : memref<10112x128xf32, #tpu.memory_space<vmem>>, vector<10112x128xf32>,
    %broadcast_in_dim3A_24 = vector.shape_cast %rsqrt3A : vector<10112xf32> to vector<10112x1xf32>
    %swap3A_25 = arith.constant 0 : index
    %swap3A_26 = arith.constant 0 : index
    %swap3A_27 = vector.load %arg4[%swap3A_25, %swap3A_26] : memref<10112x1xf32, #tpu.memory_space<vmem>>, vector<10112x1xf32>
    tpu.vector_store %arg4[%swap3A_25, %swap3A_26], %broadcast_in_dim3A_24 {strides = array<i32>} : memref<10112x1xf32, #tpu.memory_space<vmem>>, vector<10112x1xf32>,
    return
  }
}

module attributes {stable_mosaic.version = 14 : i64} {
  func.func @_final_body(%arg0: memref<2x10112x128xf32, #tpu.memory_space<vmem>>, %arg1: memref<10112x128xf32, #tpu.memory_space<vmem>>, %arg2: memref<10112x1xf32, #tpu.memory_space<vmem>>, %arg3: memref<128xf32, #tpu.memory_space<vmem>>, %arg4: memref<128x256xf32, #tpu.memory_space<vmem>>, %arg5: memref<128x1xf32, #tpu.memory_space<vmem>>, %arg6: memref<1xf32, #tpu.memory_space<vmem>>, %arg7: memref<1x1xf32, #tpu.memory_space<vmem>>, %arg8: memref<10000x128xf32, #tpu.memory_space<vmem>>) attributes {dimension_semantics = [], scalar_prefetch = 0 : i64, scratch_operands = 0 : i64, tpu.core_type = #tpu.core_type<tc>} {
    %get3A = arith.constant 0 : index
    %get3A_0 = arith.constant 0 : index
    %get3A_1 = arith.constant 0 : index
    %get3A_2 = vector.load %arg0[%get3A, %get3A_0, %get3A_1] : memref<2x10112x128xf32, #tpu.memory_space<vmem>>, vector<1x10000x128xf32>
    %get3A_3 = vector.shape_cast %get3A_2 : vector<1x10000x128xf32> to vector<10000x128xf32>
    %get3A_4 = arith.constant 1 : index
    %get3A_5 = arith.constant 0 : index
    %get3A_6 = arith.constant 0 : index
    %get3A_7 = vector.load %arg0[%get3A_4, %get3A_5, %get3A_6] : memref<2x10112x128xf32, #tpu.memory_space<vmem>>, vector<1x10000x128xf32>
    %get3A_8 = vector.shape_cast %get3A_7 : vector<1x10000x128xf32> to vector<10000x128xf32>
    %add3A = arith.addf %get3A_3, %get3A_8 : vector<10000x128xf32>
    %get3A_9 = arith.constant 0 : index
    %get3A_10 = arith.constant 0 : index
    %get3A_11 = vector.load %arg1[%get3A_9, %get3A_10] : memref<10112x128xf32, #tpu.memory_space<vmem>>, vector<10000x128xf32>
    %add3A_12 = arith.addf %add3A, %get3A_11 : vector<10000x128xf32>
    %get3A_13 = arith.constant 0 : index
    %get3A_14 = arith.constant 0 : index
    %get3A_15 = vector.load %arg2[%get3A_13, %get3A_14] : memref<10112x1xf32, #tpu.memory_space<vmem>>, vector<10000x1xf32>
    %mul3A = vector.broadcast %get3A_15 : vector<10000x1xf32> to vector<10000x128xf32>
    %mul3A_16 = arith.mulf %add3A_12, %mul3A : vector<10000x128xf32>
    %get3A_17 = arith.constant 0 : index
    %get3A_18 = vector.load %arg3[%get3A_17] : memref<128xf32, #tpu.memory_space<vmem>>, vector<128xf32>
    %broadcast_in_dim3A = vector.shape_cast %get3A_18 : vector<128xf32> to vector<1x128xf32>
    %add3A_19 = vector.broadcast %broadcast_in_dim3A : vector<1x128xf32> to vector<10000x128xf32>
    %add3A_20 = arith.addf %mul3A_16, %add3A_19 : vector<10000x128xf32>
    %max3A = arith.constant 0.000000e+00 : f32
    %max3A_21 = vector.broadcast %max3A : f32 to vector<10000x128xf32>
    %max3A_22 = arith.maximumf %add3A_20, %max3A_21 : vector<10000x128xf32>
    %get3A_23 = arith.constant 0 : index
    %get3A_24 = arith.constant 0 : index
    %get3A_25 = vector.load %arg4[%get3A_23, %get3A_24] : memref<128x256xf32, #tpu.memory_space<vmem>>, vector<128x256xf32>
    %dot_general3A = arith.constant dense<0.000000e+00> : vector<10000x256xf32>
    %dot_general3A_26 = tpu.matmul %max3A_22, %get3A_25, %dot_general3A {dimension_numbers = #tpu.dot_dimension_numbers<[1], [0], [0], [1], [0, 0, 1, 1], [], []>, transpose_lhs_hint = false} : vector<10000x128xf32>, vector<128x256xf32>, vector<10000x256xf32> -> vector<10000x256xf32>
    %slice3A = vector.extract_strided_slice %dot_general3A_26 {offsets = [0, 0], sizes = [10000, 128], strides = [1, 1]} : vector<10000x256xf32> to vector<10000x128xf32>
    %logistic3A = arith.negf %slice3A : vector<10000x128xf32>
    %logistic3A_27 = math.exp %logistic3A : vector<10000x128xf32>
    %logistic3A_28 = arith.constant 1.000000e+00 : f32
    %logistic3A_29 = vector.broadcast %logistic3A_28 : f32 to vector<10000x128xf32>
    %logistic3A_30 = arith.addf %logistic3A_29, %logistic3A_27 : vector<10000x128xf32>
    %logistic3A_31 = arith.divf %logistic3A_29, %logistic3A_30 : vector<10000x128xf32>
    %slice3A_32 = vector.extract_strided_slice %dot_general3A_26 {offsets = [0, 128], sizes = [10000, 128], strides = [1, 1]} : vector<10000x256xf32> to vector<10000x128xf32>
    %tanh3A = math.tanh %slice3A_32 : vector<10000x128xf32>
    %sub3A = arith.constant 1.000000e+00 : f32
    %sub3A_33 = vector.broadcast %sub3A : f32 to vector<10000x128xf32>
    %sub3A_34 = arith.subf %sub3A_33, %logistic3A_31 : vector<10000x128xf32>
    %mul3A_35 = arith.mulf %sub3A_34, %tanh3A : vector<10000x128xf32>
    %swap3A = arith.constant 0 : index
    %swap3A_36 = arith.constant 0 : index
    %swap3A_37 = vector.load %arg8[%swap3A, %swap3A_36] : memref<10000x128xf32, #tpu.memory_space<vmem>>, vector<10000x128xf32>
    tpu.vector_store %arg8[%swap3A, %swap3A_36], %mul3A_35 {strides = array<i32>} : memref<10000x128xf32, #tpu.memory_space<vmem>>, vector<10000x128xf32>,
    %reduce_sum3A = arith.constant dense<0.000000e+00> : vector<128xf32>
    %reduce_sum3A_38 = vector.multi_reduction <add>, %mul3A_35, %reduce_sum3A [0] : vector<10000x128xf32> to vector<128xf32>
    %mul3A_39 = arith.constant 9.99999974E-5 : f32
    %mul3A_40 = vector.broadcast %mul3A_39 : f32 to vector<128xf32>
    %mul3A_41 = arith.mulf %reduce_sum3A_38, %mul3A_40 : vector<128xf32>
    %broadcast_in_dim3A_42 = vector.shape_cast %mul3A_41 : vector<128xf32> to vector<1x128xf32>
    %get3A_43 = arith.constant 0 : index
    %get3A_44 = arith.constant 0 : index
    %get3A_45 = vector.load %arg5[%get3A_43, %get3A_44] : memref<128x1xf32, #tpu.memory_space<vmem>>, vector<128x1xf32>
    %dot_general3A_46 = arith.constant dense<0.000000e+00> : vector<1x1xf32>
    %dot_general3A_47 = tpu.matmul %broadcast_in_dim3A_42, %get3A_45, %dot_general3A_46 {dimension_numbers = #tpu.dot_dimension_numbers<[1], [0], [0], [1], [0, 0, 1, 1], [], []>, transpose_lhs_hint = false} : vector<1x128xf32>, vector<128x1xf32>, vector<1x1xf32> -> vector<1x1xf32>
    %get3A_48 = arith.constant 0 : index
    %get3A_49 = vector.load %arg6[%get3A_48] : memref<1xf32, #tpu.memory_space<vmem>>, vector<1xf32>
    %broadcast_in_dim3A_50 = vector.shape_cast %get3A_49 : vector<1xf32> to vector<1x1xf32>
    %add3A_51 = arith.addf %dot_general3A_47, %broadcast_in_dim3A_50 : vector<1x1xf32>
    %swap3A_52 = arith.constant 0 : index
    %swap3A_53 = arith.constant 0 : index
    %swap3A_54 = vector.load %arg7[%swap3A_52, %swap3A_53] : memref<1x1xf32, #tpu.memory_space<vmem>>, vector<1x1xf32>
    tpu.vector_store %arg7[%swap3A_52, %swap3A_53], %add3A_51 {strides = array<i32>} : memref<1x1xf32, #tpu.memory_space<vmem>>, vector<1x1xf32>,
    return
  }
}

</mosaic_0001>

<sc_bundles>
// kernel: kernel.6.cloned.1.call-start
scs
__scs_entry_jumppad:
0x0: {  	(pc) =	sbr.rel $0x88, $3  }
0x1: {  	(tag) =	ssettag $0x0;
	lr =	simm.s32 $0x1  }
0x2: {  	[smem:$0x3F9A] =	sst lr;
	_ =	strace $0xD0000000  }
0x3: {  	_ = 	snop  }
0x4: {  	_ = 	snop  }
0x5: {  	_ = 	snop  }
0x6: {  	_ = 	snop  }
0x7: {  	_ = 	snop  }
__scs_overlays_trampoline_lowered:
0x8: {  	[smem:$0x3FA9] =	sst s0  }
0x9: {  	[smem:$0x3FAA] =	sst s1  }
0xa: {  	[smem:$0x3FAB] =	sst s2  }
0xb: {  	[smem:$0x3FAC] =	sst s3  }
0xc: {  	[smem:$0x3FAD] =	sst s4  }
0xd: {  	[smem:$0x3FAE] =	sst s5  }
0xe: {  	[smem:$0x3FAF] =	sst s6  }
0xf: {  	[smem:$0x3FB0] =	sst s7  }
0x10: {  	[smem:$0x3FB1] =	sst s8  }
0x11: {  	[smem:$0x3FB2] =	sst s9;
	s0 =	simm.s32 @!p0 $0x0  }
0x12: {  	s1 =	sld [smem:$0x3F98];
	s0 =	simm.s32 @p0 $0x1  }
0x13: {  	[smem:$0x3FB3] =	sst s0;
	s0 =	simm.s32 @!p1 $0x0  }
0x14: {  	s2 =	sld [smem:$0x3F97];
	s0 =	simm.s32 @p1 $0x1  }
0x15: {  	[smem:$0x3FB4] =	sst s0;
	s0 =	simm.s32 @!p2 $0x0  }
0x16: {  	s3 =	sld [smem:$0x3FDB];
	s0 =	simm.s32 @p2 $0x1  }
0x17: {  	s4 =	simm.s32 $0x1BF5;
	[smem:$0x3FB6] =	sst s0  }
0x18: {  	s0 =	sld [smem:$0x3F99];
	_ =	swait.ge [sflag:s4], $0x0  }
0x19: {  	s7 =	sld [smem:$0x3F9A]  }
0x1a: {  	s8 =	sadd.s32 $0xFFFFE003, lr  }
0x1b: {  	s9 =	sadd.s32 $0xFFFFFEF7, lr;
	s5 =	simm.s32 $0xFFFFFFFF;
	p2 =	slt.u32 s8, $0xFFFFF086  }
0x1c: {  	p1 =	slt.u32 s9, $0xF7A;
	s5 =	simm.s32 @!p2 $0x0  }
0x1d: {  	s5 =	simm.s32 @p1 $0x1;
	p0 =	seq.s32 s7, s2  }
0x1e: {  	s7 =	smul.u32 @!p0 $0xF7A, s2;
	p2 =	seq.s32 @!p0 s5, $0x0  }
0x1f: {  	s9 =	smul.u32 $0xF7A, s1;
	s8 =	simm.s32 @!p0 $0x1BF5;
	p2 =	por !p2, p0  }
0x20: {  	[sflag:s8] =	ssyncset.s32 @!p0 $0xFFFFF086;
	s6 =	sadd.s32 @!p0 s3, s7;
	s7 =	simm.s32 @!p0 $0x108  }
0x21: {  	s3 =	sadd.s32 s3, s9;
	s6 =	sadd.s32 @!p0 $0x88, s6;
	s7 =	simm.s32 @p2 $0x1082  }
0x22: {  	[simem:s7], [sflag:s8] =	dma.local @!p0 [hbm:s6], $0xF7A  }
0x23: {  	s9 =	sor.u32 $0xD0000000, s2;
	s6 =	simm.s32 $0x108;
	_ =	swait.ge @!p0 [sflag:s8], $0x0  }
0x24: {  	s3 =	sadd.s32 $0x88, s3;
	s6 =	simm.s32 @!p1 $0x1082;
	[sflag:s4] =	ssyncset.s32 $0xFFFFF086  }
0x25: {  	[simem:s6], [sflag:s4] =	dma.local [hbm:s3], $0xF7A  }
0x26: {  	[smem:$0x3F9A] =	sst s1;
	(tag) =	ssettag s2;
	_ =	strace s9  }
0x27: {  	s1 =	sld [smem:$0x3FAA]  }
0x28: {  	s2 =	sld [smem:$0x3FAB]  }
0x29: {  	s4 =	sld [smem:$0x3FAD]  }
0x2a: {  	p0 =	seq.s32 s5, $0x0;
	s5 =	sld [smem:$0x3FAE]  }
0x2b: {  	s6 =	sld [smem:$0x3FAF]  }
0x2c: {  	s7 =	sld [smem:$0x3FB0]  }
0x2d: {  	s3 =	simm.s32 $0x108;
	s8 =	sld [smem:$0x3FB1]  }
0x2e: {  	s3 =	simm.s32 @!p0 $0x1082;
	s9 =	sld [smem:$0x3FB2]  }
0x2f: {  	lr =	sadd.s32 s0, s3;
	s0 =	sld [smem:$0x3FA9]  }
0x30: {  	s3 =	sld [smem:$0x3FAC]  }
0x31: {  	[smem:$0x3FB5] =	sst s10  }
0x32: {  	s10 =	sld [smem:$0x3FB3];
	_ =	sdelay $0x3  }
0x33: {  	p0 =	seq.s32 s10, $0x1;
	s10 =	sld [smem:$0x3FB5];
	_ =	sdelay $0x3  }
0x34: {  	[smem:$0x3FB5] =	sst s10  }
0x35: {  	s10 =	sld [smem:$0x3FB4];
	_ =	sdelay $0x3  }
0x36: {  	p1 =	seq.s32 s10, $0x1;
	s10 =	sld [smem:$0x3FB5];
	_ =	sdelay $0x3  }
0x37: {  	[smem:$0x3FB5] =	sst s10  }
0x38: {  	s10 =	sld [smem:$0x3FB6]  }
0x39: {  	_ = 	snop;
	(pc) =	sbr.ind lr, $3  }
0x3a: {  	_ = 	snop  }
0x3b: {  	_ = 	snop  }
0x3c: {  	p2 =	seq.s32 s10, $0x1;
	s10 =	sld [smem:$0x3FB5]  }
0x3d: {  	_ =	shalt  }
0x3e: {  	_ =	shalt  }
0x3f: {  	_ =	shalt  }
0x40: {  	_ =	shalt  }
0x41: {  	_ =	shalt  }
0x42: {  	_ =	shalt  }
0x43: {  	_ =	shalt  }
0x44: {  	_ =	shalt  }
0x45: {  	_ =	shalt  }
0x46: {  	_ =	shalt  }
0x47: {  	_ =	shalt  }
0x48: {  	_ =	shalt  }
0x49: {  	_ =	shalt  }
0x4a: {  	_ =	shalt  }
0x4b: {  	_ =	shalt  }
0x4c: {  	_ =	shalt  }
0x4d: {  	_ =	shalt  }
0x4e: {  	_ =	shalt  }
0x4f: {  	_ =	shalt  }
0x50: {  	_ =	shalt  }
0x51: {  	_ =	shalt  }
0x52: {  	_ =	shalt  }
0x53: {  	_ =	shalt  }
0x54: {  	_ =	shalt  }
0x55: {  	_ =	shalt  }
0x56: {  	_ =	shalt  }
0x57: {  	_ =	shalt  }
0x58: {  	_ =	shalt  }
0x59: {  	_ =	shalt  }
0x5a: {  	_ =	shalt  }
0x5b: {  	_ =	shalt  }
0x5c: {  	_ =	shalt  }
0x5d: {  	_ =	shalt  }
0x5e: {  	_ =	shalt  }
0x5f: {  	_ =	shalt  }
0x60: {  	_ =	shalt  }
0x61: {  	_ =	shalt  }
0x62: {  	_ =	shalt  }
0x63: {  	_ =	shalt  }
0x64: {  	_ =	shalt  }
0x65: {  	_ =	shalt  }
0x66: {  	_ =	shalt  }
0x67: {  	_ =	shalt  }
0x68: {  	_ =	shalt  }
0x69: {  	_ =	shalt  }
0x6a: {  	_ =	shalt  }
0x6b: {  	_ =	shalt  }
0x6c: {  	_ =	shalt  }
0x6d: {  	_ =	shalt  }
0x6e: {  	_ =	shalt  }
0x6f: {  	_ =	shalt  }
0x70: {  	_ =	shalt  }
0x71: {  	_ =	shalt  }
0x72: {  	_ =	shalt  }
0x73: {  	_ =	shalt  }
0x74: {  	_ =	shalt  }
0x75: {  	_ =	shalt  }
0x76: {  	_ =	shalt  }
0x77: {  	_ =	shalt  }
0x78: {  	_ =	shalt  }
0x79: {  	_ =	shalt  }
0x7a: {  	_ =	shalt  }
0x7b: {  	_ =	shalt  }
0x7c: {  	_ =	shalt  }
0x7d: {  	_ =	shalt  }
0x7e: {  	_ =	shalt  }
0x7f: {  	_ =	shalt  }
0x80: {  	_ =	shalt  }
0x81: {  	_ =	shalt  }
0x82: {  	_ =	shalt  }
0x83: {  	_ =	shalt  }
0x84: {  	_ =	shalt  }
0x85: {  	_ =	shalt  }
0x86: {  	_ =	shalt  }
0x87: {  	_ =	shalt  }
.Lfunc_end0:
.L_simem_size_0:
called_computation.1_lowered:
.L_overlay_start_0:
0x88: {  	s2 =	sld [smem:$0x3FD9]  }
0x89: {  	s3 =	sld [smem:$0x3FFE];
	_ =	sdelay $0x1  }
0x8a: {  	s1 =	srdreg.scid  }
0x8b: {  	s0 =	sand.u32 $0x1, s1  }
0x8c: {  	s14 =	sshll.u32 s0, $0xA;
	s2 =	sadd.s32 s3, s2  }
0x8d: {  	s2 =	sadd.s32 s2, s14  }
0x8e: {  	[smem:$0x3FC1] =	sst s2  }
0x8f: {  	_ = 	snop  }
0x90: {  	s2 =	sld [smem:$0x3FD0];
	_ =	sdelay $0x2  }
0x91: {  	s15 =	simm.s32 $0xA;
	s4 =	simm.s32 $0x10  }
0x92: {  	[smem:s4], [sflag:s15] =	dma.local [hbm:s2], $0x1  }
0x93: {  	_ =	swait.eq [sflag:s15], $0x1  }
0x94: {  	[sflag:s15] =	ssyncset.done $0x0  }
0x95: {  	[sflag:s15] =	ssyncadd.s32 $0xFFFFFFFF  }
0x96: {  	s16 =	sld [smem:$0x11];
	(tm) =	ssettm $0x1  }
0x97: {  	s17 =	sld [smem:$0x3FFB];
	_ =	sdelay $0x3  }
0x98: {  	_ =	strace s17  }
0x99: {  	s3 =	sld [smem:$0x3FFC];
	_ =	sdelay $0x3  }
0x9a: {  	_ =	strace s3  }
0x9b: {  	s3 =	sld [smem:$0x3FFD];
	_ =	sdelay $0x3  }
0x9c: {  	_ =	strace s3  }
0x9d: {  	_ =	strace $0x8FFFFFFF  }
0x9e: {  	s18 =	sld [smem:$0x3FDB];
	_ =	sdelay $0x1  }
0x9f: {  	s19 =	simm.s32 $_scs_section_size  }
0xa0: {  	s5 =	simm.s32 $_size__tile_overlayer_lowered;
	s6 =	simm.s32 $_tile_overlayer_lowered  }
0xa1: {  	s22 =	simm.s32 $0x1BFF;
	s21 =	sshll.u32 s6, $0x1;
	s3 =	sadd.s32 s19, s18  }
0xa2: {  	s7 =	simm.s32 $0x0;
	s20 =	sshll.u32 s5, $0x1;
	s5 =	sadd.s32 s21, s3  }
0xa3: {  	[timem:s7], [sflag:s22] =	dma.local [hbm:s5], s20  }
0xa4: {  	_ =	swait.ge [sflag:s22], s20  }
0xa5: {  	s4 =	ssub.s32 $0x0, s20;
	[sflag:s22] =	ssyncset.done $0x0  }
0xa6: {  	[sflag:s22] =	ssyncadd.s32 s4;
	_ =	sdelay $0x1  }
0xa7: {  	s23 =	simm.s32 $0x1B8B  }
0xa8: {  	_ =	swait.ge [sflag:s23], $0x1  }
0xa9: {  	[sflag:s23] =	ssyncset.done $0x0  }
0xaa: {  	s25 =	simm.s32 $0x1B8E;
	s24 =	sld [smem:$0x3FFE];
	[sflag:s23] =	ssyncadd.s32 $0xFFFFFFFF  }
0xab: {  	s26 =	simm.s32 $execute0_lowered;
	[smem:$0x3FD2] =	sst s25  }
0xac: {  	s5 =	sshll.u32 s26, $0x1;
	_ =	strace $0x80000046;
	[dreg:$0x1] =	wrdreg $0xFFFFFFFF  }
0xad: {  	s28 =	simm.s32 $_size_execute0_lowered;
	s3 =	sadd.s32 s3, s5;
	[dreg:$0x0] =	wrdreg $0x0  }
0xae: {  	s5 =	sshll.u32 s28, $0x1;
	[dreg:$0x2] =	wrdreg s3  }
0xaf: {  	[dreg:$0x3] =	wrdreg s5  }
0xb0: {  	[dreg:$0x4] =	wrdreg $0xC0  }
0xb1: {  	_ =	task [dreg:s7], $0x5FFFF  }
0xb2: {  	[dreg:$0x1] =	wrdreg $0xFFFFFFFF  }
0xb3: {  	[dreg:$0x0] =	wrdreg $0x60  }
0xb4: {  	[dreg:$0x2] =	wrdreg s16  }
0xb5: {  	[dreg:$0x3] =	wrdreg s24  }
0xb6: {  	[dreg:$0x4] =	wrdreg $0xA8800  }
0xb7: {  	[dreg:$0x5] =	wrdreg $0x9  }
0xb8: {  	_ =	task.clear_ibuf [dreg:s7], $0x6FFFF;
	_ =	strace $0x90000046  }
0xb9: {  	s29 =	simm.s32 $0x9;
	_ =	strace $0x80000048  }
0xba: {  	_ =	swait.ge [sflag:s29], $0x1  }
0xbb: {  	[sflag:s29] =	ssyncadd.s32 $0xFFFFFFFF  }
0xbc: {  	_ =	strace $0x90000048  }
0xbd: {  	_ =	sfence  }
0xbe: {  	s30 =	sld [smem:$0x0];
	_ =	sdelay $0x2  }
0xbf: {  	s31 =	sshll.u32 s1, $0xD;
	s1 =	sshrl.u32 s1, $0x2  }
0xc0: {  	s3 =	sand.u32 $0x4000, s31;
	s1 =	sadd.s32 s1, s30  }
0xc1: {  	s0 =	sor.u32 s3, s0;
	s1 =	sshll.u32 s1, $0x11  }
0xc2: {  	s0 =	sor.u32 s1, s0  }
0xc3: {  	s0 =	sadd.s32 $0x8F2B, s0  }
0xc4: {  	[sflag:s0] =	ssyncadd.remote.s32 $0x1  }
0xc5: {  	_ =	sfence.sel $0xFFFF  }
0xc6: {  	[dreg:$0x0] =	wrdreg $0xFFFFFFFF;
	(pc) =	sbr.abs _section_cstart, $3  }
0xc7: {  	[dreg:$0x1] =	wrdreg $0xFFFFFFFF  }
0xc8: {  	_ =	task.clear_ibuf [dreg:s7], $0x2FFFF;
	_ =	strace $0x9FFFFFFF  }
0xc9: {  	(tm) =	ssettm $0x7FFFFFFF  }
tec
execute0_lowered:
.L_overlay_start_1:
0x0: {  	(tag) =	ssettag $0x1  }
0x1: {  	s6 =	rddreg [dreg:$0x0]  }
0x2: {  	s4 =	rddreg [dreg:$0x1]  }
0x3: {  	s1 =	rddreg [dreg:$0x2]  }
0x4: {  	s0 =	rddreg [dreg:$0x3];
	s3 =	simm.s32 $0x0;
	s5 =	srdreg.scid  }
0x5: {  	s2 =	stileid.u32;
	s18 =	simm.s32 $0xA800;
	s19 =	simm.s32 $0x6800  }
0x6: {  	s20 =	simm.s32 $0x2800;
	s21 =	simm.s32 $0x0;
	[smem:$0x7FF] =	sst s3  }
0x7: {  	s14 =	sadd.s32 $0x1C00, s4;
	s5 =	sand.u32 $0x1, s5;
	s4 =	smul.u32 $0x278, s2  }
0x8: {  	s9 =	smul.u32 $0x13C00, s2;
	_ =	strace $0x80000047;
	s8 =	sshll.u32 s5, $0x4  }
0x9: {  	s7 =	ssub.s32 $0x2, s5;
	s12 =	smul.u32 $0x13C000, s5;
	s8 =	sor.u32 s2, s8  }
0xa: {  	s5 =	sadd.s32 $0x80, s4;
	s10 =	sshrl.u32 s7, $0x1;
	s8 =	smul.u32 $0x500, s8  }
0xb: {  	s11 =	sshll.u32 s5, $0x7;
	s15 =	ssub.s32 s7, s10;
	s26 =	sadd.s32 s9, s12  }
0xc: {  	s9 =	sadd.s32 $0x100, s4;
	s10 =	sadd.s32 $0x180, s4;
	s28 =	sadd.s32 s12, s11  }
0xd: {  	s7 =	sshrl.u32 s26, $0x3;
	s13 =	sshll.u32 s9, $0x7;
	s11 =	sadd.s32 $0x200, s4  }
0xe: {  	s16 =	sshll.u32 s10, $0x7;
	s15 =	smax.u32 s15, $0x1;
	s6 =	sadd.s32 s6, s8  }
0xf: {  	s29 =	sshrl.u32 s28, $0x3;
	s7 =	sadd.s32 s14, s7;
	s13 =	sadd.s32 s12, s13  }
0x10: {  	s17 =	sshll.u32 s11, $0x7;
	s16 =	sadd.s32 s12, s16;
	s8 =	sadd.s32 s14, s29  }
0x11: {  	s13 =	sshrl.u32 s13, $0x3;
	s17 =	sadd.s32 s12, s17;
	s30 =	sshrl.u32 s16, $0x3  }
0x12: {  	s16 =	simm.s32 $0x1;
	s12 =	sadd.s32 s14, s13;
	s31 =	sshrl.u32 s17, $0x3  }
0x13: {  	v0 =	vimm.f32 $1.000000000e+00;
	v1 =	vimm.f32 $0.0e+00;
	v2 =	vlaneseq.u32;
	s13 =	sadd.s32 s14, s30;
	s17 =	simm.s32 $0x80;
	s14 =	sadd.s32 s14, s31  }
.LBB2_1:
0x14: {  	s22 =	simm.s32 $0x200;
	s23 =	simm.s32 $0x0  }
.LBB2_2:
0x15: {  	p0 =	sne.s32 s22, $0xFE00;
	[tilespmem:s23+$0x2800] =	vst v0;
	s24 =	smov.u32 s22;
	s22 =	sadd.s32 $0x200, s22  }
.Ltmp0:
0x16: {  	[tilespmem:s23+$0x6800] =	vst v1;
	(pc) =	sbr.rel @p0 .LBB2_2-.Ltmp0, $2  }
0x17: {  	_ =	sdelay $0x2  }
0x18: {  	s23 =	sshra.s32 s24, $0x2  }
0x19: {  	[tilespmem:s23+$0x2800] =	vst v0  }
0x1a: {  	[tilespmem:s23+$0x6800] =	vst v1;
	s22 =	simm.s32 $0x0  }
0x1b: {  	[tilespmem:s22], [sflag:$0x1] =	stream.linear.gather [hbm4b:s6+s22], $0x2800, $0x38;
	[tilespmem:$0xD000] =	vst v63  }
0x1c: {  	_ =	swait.ge [sflag:s16], $0x2800  }
0x1d: {  	[sflag:s16] =	ssyncset.done $0x0  }
0x1e: {  	s23 =	smov.u32 s4;
	[sflag:s16] =	ssyncadd.s32 $0xFFFFD800  }
.LBB2_4:
0x1f: {  	v3 =	vadd.s32 s23, v2  }
0x20: {  	vm0 =	vlt.s32 v3, $0x277F  }
0x21: {  	s24 =	simm.s32 $0x40;
	s26 =	simm.s32 $0x0;
	s25 =	smov.u32 s23;
	v3 =	vnsel vm0, $0x277F, v3  }
.LBB2_5:
0x22: {  	p0 =	sne.s32 s24, $0x1C0  }
0x23: {  	[tilespmem:s26+$0xA800] =	vst v3;
	s25 =	sadd.s32 $0x10, s25;
	s26 =	smov.u32 s24;
	s24 =	sadd.s32 $0x40, s24  }
.Ltmp1:
0x24: {  	(pc) =	sbr.rel @p0 .LBB2_5-.Ltmp1, $4  }
0x25: {  	_ = 	snop  }
0x26: {  	v3 =	vadd.s32 s25, v2  }
0x27: {  	vm0 =	vlt.s32 v3, $0x277F  }
0x28: {  	s26 =	sshra.s32 s26, $0x2;
	v3 =	vnsel vm0, $0x277F, v3  }
0x29: {  	s22 =	sadd.s32 $0x1, s22  }
0x2a: {  	p0 =	sne.s32 s22, $0x5  }
.Ltmp2:
0x2b: {  	[tilespmem:s26+$0xA800] =	vst v3;
	(pc) =	sbr.rel @p0 .LBB2_4-.Ltmp2, $4  }
0x2c: {  	[spmem:s1] =	stream.indirect.scatter [tilespmem:s19], [sflag:$0x1], $0x10, s18, s17, $0xb8;
	[tilespmem:$0xD000] =	vst v63  }
0x2d: {  	_ =	swait.ge [sflag:s16], $0x800  }
0x2e: {  	[sflag:s16] =	ssyncset.done $0x0  }
0x2f: {  	s23 =	sadd.s32 $0x80, s23;
	[sflag:s16] =	ssyncadd.s32 $0xFFFFF800  }
0x30: {  	[bflag:$0x0] =	sbarrier.arrive $0xFFFF;
	s22 =	simm.s32 $0x0  }
0x31: {  	[spmem:s1] =	stream.indirect.scatter.add.f32 [tilespmem:s20], [sflag:$0x1], $0x10, s22, s17, $0xb8;
	[tilespmem:$0xD000] =	vst v63  }
0x32: {  	_ =	swait.ge [sflag:s16], $0x800  }
0x33: {  	s22 =	simm.s32 $0x200;
	[sflag:s16] =	ssyncset.done $0x0  }
.LBB2_8:
0x34: {  	s23 =	sshra.s32 s22, $0x2;
	[sflag:s16] =	ssyncadd.s32 $0xFFFFF800;
	p0 =	sne.s32 s22, $0x9E00  }
0x35: {  	[spmem:s1] =	stream.indirect.scatter.add.f32 [tilespmem:s20], [sflag:$0x1], $0x10, s23, s17, $0xb8;
	[tilespmem:$0xD000] =	vst v63  }
.Ltmp3:
0x36: {  	_ = 	snop;
	(pc) =	sbr.rel @p0 .LBB2_8-.Ltmp3, $4  }
0x37: {  	_ = 	snop  }
0x38: {  	s22 =	sadd.s32 $0x200, s22  }
0x39: {  	_ =	swait.ge [sflag:s16], $0x800  }
0x3a: {  	[sflag:s16] =	ssyncset.done $0x0  }
0x3b: {  	v3 =	vadd.s32 s4, v2  }
0x3c: {  	[sflag:s16] =	ssyncadd.s32 $0xFFFFF800;
	s22 =	simm.s32 $0x40;
	vm0 =	vlt.s32 v3, $0x277F  }
0x3d: {  	s24 =	simm.s32 $0x0;
	s23 =	smov.u32 s4;
	[bflag:$0x0] =	sbarrier.arrive $0xFFFF;
	v3 =	vnsel vm0, $0x277F, v3  }
.LBB2_10:
0x3e: {  	p0 =	sne.s32 s22, $0x1C0  }
0x3f: {  	[tilespmem:s24+$0xA800] =	vst v3;
	s23 =	sadd.s32 $0x10, s23;
	s24 =	smov.u32 s22;
	s22 =	sadd.s32 $0x40, s22  }
.Ltmp4:
0x40: {  	(pc) =	sbr.rel @p0 .LBB2_10-.Ltmp4, $4  }
0x41: {  	_ = 	snop  }
0x42: {  	v3 =	vadd.s32 s23, v2  }
0x43: {  	vm0 =	vlt.s32 v3, $0x277F  }
0x44: {  	s24 =	sshra.s32 s24, $0x2;
	v3 =	vnsel vm0, $0x277F, v3  }
0x45: {  	[tilespmem:s24+$0xA800] =	vst v3  }
0x46: {  	[tilespmem:s19], [sflag:$0x1] =	stream.indirect.gather [spmem:s1], $0x10, s18, s17, $0xb8;
	[tilespmem:$0xD000] =	vst v63  }
0x47: {  	_ =	swait.ge [sflag:s16], $0x800  }
0x48: {  	[sflag:s16] =	ssyncset.done $0x0  }
0x49: {  	s22 =	simm.s32 $0x0;
	[sflag:s16] =	ssyncadd.s32 $0xFFFFF800  }
0x4a: {  	[hbm4b:s7+s22] =	stream.linear.scatter [tilespmem:s19], [sflag:$0x1], $0x4000, $0x38;
	[tilespmem:$0xD000] =	vst v63  }
0x4b: {  	v3 =	vadd.s32 s5, v2;
	_ =	swait.ge [sflag:s16], $0x4000  }
0x4c: {  	s24 =	simm.s32 $0x0;
	vm0 =	vlt.s32 v3, $0x277F;
	[sflag:s16] =	ssyncset.done $0x0  }
0x4d: {  	s23 =	smov.u32 s5;
	v3 =	vnsel vm0, $0x277F, v3;
	s22 =	simm.s32 $0x40;
	[sflag:s16] =	ssyncadd.s32 $0xFFFFC000  }
.LBB2_12:
0x4e: {  	p0 =	sne.s32 s22, $0x1C0  }
0x4f: {  	[tilespmem:s24+$0xA800] =	vst v3;
	s23 =	sadd.s32 $0x10, s23;
	s24 =	smov.u32 s22;
	s22 =	sadd.s32 $0x40, s22  }
.Ltmp5:
0x50: {  	(pc) =	sbr.rel @p0 .LBB2_12-.Ltmp5, $4  }
0x51: {  	_ = 	snop  }
0x52: {  	v3 =	vadd.s32 s23, v2  }
0x53: {  	vm0 =	vlt.s32 v3, $0x277F  }
0x54: {  	s24 =	sshra.s32 s24, $0x2;
	v3 =	vnsel vm0, $0x277F, v3  }
0x55: {  	[tilespmem:s24+$0xA800] =	vst v3  }
0x56: {  	[tilespmem:s19], [sflag:$0x1] =	stream.indirect.gather [spmem:s1], $0x10, s18, s17, $0xb8;
	[tilespmem:$0xD000] =	vst v63  }
0x57: {  	_ =	swait.ge [sflag:s16], $0x800  }
0x58: {  	[sflag:s16] =	ssyncset.done $0x0  }
0x59: {  	s22 =	simm.s32 $0x0;
	[sflag:s16] =	ssyncadd.s32 $0xFFFFF800  }
0x5a: {  	[hbm4b:s8+s22] =	stream.linear.scatter [tilespmem:s19], [sflag:$0x1], $0x4000, $0x38;
	[tilespmem:$0xD000] =	vst v63  }
0x5b: {  	v3 =	vadd.s32 s9, v2;
	_ =	swait.ge [sflag:s16], $0x4000  }
0x5c: {  	s24 =	simm.s32 $0x0;
	vm0 =	vlt.s32 v3, $0x277F;
	[sflag:s16] =	ssyncset.done $0x0  }
0x5d: {  	s23 =	smov.u32 s9;
	v3 =	vnsel vm0, $0x277F, v3;
	s22 =	simm.s32 $0x40;
	[sflag:s16] =	ssyncadd.s32 $0xFFFFC000  }
.LBB2_14:
0x5e: {  	p0 =	sne.s32 s22, $0x1C0  }
0x5f: {  	[tilespmem:s24+$0xA800] =	vst v3;
	s23 =	sadd.s32 $0x10, s23;
	s24 =	smov.u32 s22;
	s22 =	sadd.s32 $0x40, s22  }
.Ltmp6:
0x60: {  	(pc) =	sbr.rel @p0 .LBB2_14-.Ltmp6, $4  }
0x61: {  	_ = 	snop  }
0x62: {  	v3 =	vadd.s32 s23, v2  }
0x63: {  	vm0 =	vlt.s32 v3, $0x277F  }
0x64: {  	s24 =	sshra.s32 s24, $0x2;
	v3 =	vnsel vm0, $0x277F, v3  }
0x65: {  	[tilespmem:s24+$0xA800] =	vst v3  }
0x66: {  	[tilespmem:s19], [sflag:$0x1] =	stream.indirect.gather [spmem:s1], $0x10, s18, s17, $0xb8;
	[tilespmem:$0xD000] =	vst v63  }
0x67: {  	_ =	swait.ge [sflag:s16], $0x800  }
0x68: {  	[sflag:s16] =	ssyncset.done $0x0  }
0x69: {  	s22 =	simm.s32 $0x0;
	[sflag:s16] =	ssyncadd.s32 $0xFFFFF800  }
0x6a: {  	[hbm4b:s12+s22] =	stream.linear.scatter [tilespmem:s19], [sflag:$0x1], $0x4000, $0x38;
	[tilespmem:$0xD000] =	vst v63  }
0x6b: {  	v3 =	vadd.s32 s10, v2;
	_ =	swait.ge [sflag:s16], $0x4000  }
0x6c: {  	s24 =	simm.s32 $0x0;
	vm0 =	vlt.s32 v3, $0x277F;
	[sflag:s16] =	ssyncset.done $0x0  }
0x6d: {  	s23 =	smov.u32 s10;
	v3 =	vnsel vm0, $0x277F, v3;
	s22 =	simm.s32 $0x40;
	[sflag:s16] =	ssyncadd.s32 $0xFFFFC000  }
.LBB2_16:
0x6e: {  	p0 =	sne.s32 s22, $0x1C0  }
0x6f: {  	[tilespmem:s24+$0xA800] =	vst v3;
	s23 =	sadd.s32 $0x10, s23;
	s24 =	smov.u32 s22;
	s22 =	sadd.s32 $0x40, s22  }
.Ltmp7:
0x70: {  	(pc) =	sbr.rel @p0 .LBB2_16-.Ltmp7, $4  }
0x71: {  	_ = 	snop  }
0x72: {  	v3 =	vadd.s32 s23, v2  }
0x73: {  	vm0 =	vlt.s32 v3, $0x277F  }
0x74: {  	s24 =	sshra.s32 s24, $0x2;
	v3 =	vnsel vm0, $0x277F, v3  }
0x75: {  	[tilespmem:s24+$0xA800] =	vst v3  }
0x76: {  	[tilespmem:s19], [sflag:$0x1] =	stream.indirect.gather [spmem:s1], $0x10, s18, s17, $0xb8;
	[tilespmem:$0xD000] =	vst v63  }
0x77: {  	_ =	swait.ge [sflag:s16], $0x800  }
0x78: {  	[sflag:s16] =	ssyncset.done $0x0  }
0x79: {  	s22 =	simm.s32 $0x0;
	[sflag:s16] =	ssyncadd.s32 $0xFFFFF800  }
0x7a: {  	[hbm4b:s13+s22] =	stream.linear.scatter [tilespmem:s19], [sflag:$0x1], $0x4000, $0x38;
	[tilespmem:$0xD000] =	vst v63  }
0x7b: {  	v3 =	vadd.s32 s11, v2;
	_ =	swait.ge [sflag:s16], $0x4000  }
0x7c: {  	s24 =	simm.s32 $0x0;
	vm0 =	vlt.s32 v3, $0x277F;
	[sflag:s16] =	ssyncset.done $0x0  }
0x7d: {  	s23 =	smov.u32 s11;
	v3 =	vnsel vm0, $0x277F, v3;
	s22 =	simm.s32 $0x40;
	[sflag:s16] =	ssyncadd.s32 $0xFFFFC000  }
.LBB2_18:
0x7e: {  	p0 =	sne.s32 s22, $0x1C0  }
0x7f: {  	[tilespmem:s24+$0xA800] =	vst v3;
	s23 =	sadd.s32 $0x10, s23;
	s24 =	smov.u32 s22;
	s22 =	sadd.s32 $0x40, s22  }
.Ltmp8:
0x80: {  	(pc) =	sbr.rel @p0 .LBB2_18-.Ltmp8, $4  }
0x81: {  	_ = 	snop  }
0x82: {  	v3 =	vadd.s32 s23, v2  }
0x83: {  	vm0 =	vlt.s32 v3, $0x277F  }
0x84: {  	s24 =	sshra.s32 s24, $0x2;
	v3 =	vnsel vm0, $0x277F, v3  }
0x85: {  	[tilespmem:s24+$0xA800] =	vst v3  }
0x86: {  	[tilespmem:s19], [sflag:$0x1] =	stream.indirect.gather [spmem:s1], $0x10, s18, s17, $0xb8;
	[tilespmem:$0xD000] =	vst v63  }
0x87: {  	s21 =	sadd.s32 $0x1, s21;
	_ =	swait.ge [sflag:s16], $0x800  }
0x88: {  	p0 =	sne.s32 s21, s15;
	[sflag:s16] =	ssyncset.done $0x0  }
.Ltmp9:
0x89: {  	[sflag:s16] =	ssyncadd.s32 $0xFFFFF800;
	(pc) =	sbr.rel @p0 .LBB2_1-.Ltmp9, $4  }
0x8a: {  	[hbm4b:s14+s3] =	stream.linear.scatter [tilespmem:s19], [sflag:$0x1], $0x3C00, $0x38;
	[tilespmem:$0xD000] =	vst v63  }
0x8b: {  	_ =	swait.ge [sflag:s16], $0x3C00  }
0x8c: {  	[sflag:s16] =	ssyncset.done $0x0  }
0x8d: {  	[sflag:s16] =	ssyncadd.s32 $0xFFFFC400  }
0x8e: {  	_ =	sfence.sel $0x180000  }
0x8f: {  	[bflag:$0x0] =	sbarrier.arrive $0xFFFF  }
0x90: {  	p0 =	sne.s32 s2, $0x0;
	_ =	strace $0x90000047  }
0x91: {  	s0 =	sadd.s32 @!p0 $0x100000, s0;
	[bflag:$0x2] =	sbarrier.arrive $0xFFFF  }
0x92: {  	[sflag:s0] =	ssyncadd.tile.s32 @!p0 $0x1;
	_ =	shalt  }
.Lfunc_end2:
_tile_overlayer_lowered:
.L_overlay_start_2:
0x93: {  	(tag) =	ssettag $0x2  }
0x94: {  	s0 =	rddreg [dreg:$0x0];
	s2 =	stileid.u32  }
0x95: {  	s1 =	rddreg [dreg:$0x1];
	p0 =	sne.s32 s2, $0x0  }
0x96: {  	s3 =	rddreg [dreg:$0x2];
	[bflag:$0x3] =	sbarrier.arrive $0xFFFF;
	s2 =	simm.s32 @!p0 $0x1C01  }
0x97: {  	[timem:s3], [sflag:s2] =	dma.local @!p0 [hbm:s0], s1  }
0x98: {  	s0 =	simm.s32 @!p0 $0x1  }
0x99: {  	_ =	swait.ge @!p0 [sflag:s0], s1  }
0x9a: {  	s1 =	ssub.s32 @!p0 $0x0, s1;
	[sflag:s0] =	ssyncset.done @!p0 $0x0  }
0x9b: {  	[sflag:s0] =	ssyncadd.s32 @!p0 s1  }
0x9c: {  	[bflag:$0x3] =	sbarrier.arrive $0xFFFF  }
0x9d: {  	_ =	shalt  }

// kernel: kernel.9.cloned.1.call-start
scs
__scs_entry_jumppad:
0x0: {  	(pc) =	sbr.rel $0x88, $3  }
0x1: {  	(tag) =	ssettag $0x0;
	lr =	simm.s32 $0x1  }
0x2: {  	[smem:$0x3F9A] =	sst lr;
	_ =	strace $0xD0000000  }
0x3: {  	_ = 	snop  }
0x4: {  	_ = 	snop  }
0x5: {  	_ = 	snop  }
0x6: {  	_ = 	snop  }
0x7: {  	_ = 	snop  }
__scs_overlays_trampoline_lowered:
0x8: {  	[smem:$0x3FA9] =	sst s0  }
0x9: {  	[smem:$0x3FAA] =	sst s1  }
0xa: {  	[smem:$0x3FAB] =	sst s2  }
0xb: {  	[smem:$0x3FAC] =	sst s3  }
0xc: {  	[smem:$0x3FAD] =	sst s4  }
0xd: {  	[smem:$0x3FAE] =	sst s5  }
0xe: {  	[smem:$0x3FAF] =	sst s6  }
0xf: {  	[smem:$0x3FB0] =	sst s7  }
0x10: {  	[smem:$0x3FB1] =	sst s8  }
0x11: {  	[smem:$0x3FB2] =	sst s9;
	s0 =	simm.s32 @!p0 $0x0  }
0x12: {  	s1 =	sld [smem:$0x3F98];
	s0 =	simm.s32 @p0 $0x1  }
0x13: {  	[smem:$0x3FB3] =	sst s0;
	s0 =	simm.s32 @!p1 $0x0  }
0x14: {  	s2 =	sld [smem:$0x3F97];
	s0 =	simm.s32 @p1 $0x1  }
0x15: {  	[smem:$0x3FB4] =	sst s0;
	s0 =	simm.s32 @!p2 $0x0  }
0x16: {  	s3 =	sld [smem:$0x3FDB];
	s0 =	simm.s32 @p2 $0x1  }
0x17: {  	s4 =	simm.s32 $0x1BF5;
	[smem:$0x3FB6] =	sst s0  }
0x18: {  	s0 =	sld [smem:$0x3F99];
	_ =	swait.ge [sflag:s4], $0x0  }
0x19: {  	s7 =	sld [smem:$0x3F9A]  }
0x1a: {  	s8 =	sadd.s32 $0xFFFFE003, lr  }
0x1b: {  	s9 =	sadd.s32 $0xFFFFFEF7, lr;
	s5 =	simm.s32 $0xFFFFFFFF;
	p2 =	slt.u32 s8, $0xFFFFF086  }
0x1c: {  	p1 =	slt.u32 s9, $0xF7A;
	s5 =	simm.s32 @!p2 $0x0  }
0x1d: {  	s5 =	simm.s32 @p1 $0x1;
	p0 =	seq.s32 s7, s2  }
0x1e: {  	s7 =	smul.u32 @!p0 $0xF7A, s2;
	p2 =	seq.s32 @!p0 s5, $0x0  }
0x1f: {  	s9 =	smul.u32 $0xF7A, s1;
	s8 =	simm.s32 @!p0 $0x1BF5;
	p2 =	por !p2, p0  }
0x20: {  	[sflag:s8] =	ssyncset.s32 @!p0 $0xFFFFF086;
	s6 =	sadd.s32 @!p0 s3, s7;
	s7 =	simm.s32 @!p0 $0x108  }
0x21: {  	s3 =	sadd.s32 s3, s9;
	s6 =	sadd.s32 @!p0 $0x88, s6;
	s7 =	simm.s32 @p2 $0x1082  }
0x22: {  	[simem:s7], [sflag:s8] =	dma.local @!p0 [hbm:s6], $0xF7A  }
0x23: {  	s9 =	sor.u32 $0xD0000000, s2;
	s6 =	simm.s32 $0x108;
	_ =	swait.ge @!p0 [sflag:s8], $0x0  }
0x24: {  	s3 =	sadd.s32 $0x88, s3;
	s6 =	simm.s32 @!p1 $0x1082;
	[sflag:s4] =	ssyncset.s32 $0xFFFFF086  }
0x25: {  	[simem:s6], [sflag:s4] =	dma.local [hbm:s3], $0xF7A  }
0x26: {  	[smem:$0x3F9A] =	sst s1;
	(tag) =	ssettag s2;
	_ =	strace s9  }
0x27: {  	s1 =	sld [smem:$0x3FAA]  }
0x28: {  	s2 =	sld [smem:$0x3FAB]  }
0x29: {  	s4 =	sld [smem:$0x3FAD]  }
0x2a: {  	p0 =	seq.s32 s5, $0x0;
	s5 =	sld [smem:$0x3FAE]  }
0x2b: {  	s6 =	sld [smem:$0x3FAF]  }
0x2c: {  	s7 =	sld [smem:$0x3FB0]  }
0x2d: {  	s3 =	simm.s32 $0x108;
	s8 =	sld [smem:$0x3FB1]  }
0x2e: {  	s3 =	simm.s32 @!p0 $0x1082;
	s9 =	sld [smem:$0x3FB2]  }
0x2f: {  	lr =	sadd.s32 s0, s3;
	s0 =	sld [smem:$0x3FA9]  }
0x30: {  	s3 =	sld [smem:$0x3FAC]  }
0x31: {  	[smem:$0x3FB5] =	sst s10  }
0x32: {  	s10 =	sld [smem:$0x3FB3];
	_ =	sdelay $0x3  }
0x33: {  	p0 =	seq.s32 s10, $0x1;
	s10 =	sld [smem:$0x3FB5];
	_ =	sdelay $0x3  }
0x34: {  	[smem:$0x3FB5] =	sst s10  }
0x35: {  	s10 =	sld [smem:$0x3FB4];
	_ =	sdelay $0x3  }
0x36: {  	p1 =	seq.s32 s10, $0x1;
	s10 =	sld [smem:$0x3FB5];
	_ =	sdelay $0x3  }
0x37: {  	[smem:$0x3FB5] =	sst s10  }
0x38: {  	s10 =	sld [smem:$0x3FB6]  }
0x39: {  	_ = 	snop;
	(pc) =	sbr.ind lr, $3  }
0x3a: {  	_ = 	snop  }
0x3b: {  	_ = 	snop  }
0x3c: {  	p2 =	seq.s32 s10, $0x1;
	s10 =	sld [smem:$0x3FB5]  }
0x3d: {  	_ =	shalt  }
0x3e: {  	_ =	shalt  }
0x3f: {  	_ =	shalt  }
0x40: {  	_ =	shalt  }
0x41: {  	_ =	shalt  }
0x42: {  	_ =	shalt  }
0x43: {  	_ =	shalt  }
0x44: {  	_ =	shalt  }
0x45: {  	_ =	shalt  }
0x46: {  	_ =	shalt  }
0x47: {  	_ =	shalt  }
0x48: {  	_ =	shalt  }
0x49: {  	_ =	shalt  }
0x4a: {  	_ =	shalt  }
0x4b: {  	_ =	shalt  }
0x4c: {  	_ =	shalt  }
0x4d: {  	_ =	shalt  }
0x4e: {  	_ =	shalt  }
0x4f: {  	_ =	shalt  }
0x50: {  	_ =	shalt  }
0x51: {  	_ =	shalt  }
0x52: {  	_ =	shalt  }
0x53: {  	_ =	shalt  }
0x54: {  	_ =	shalt  }
0x55: {  	_ =	shalt  }
0x56: {  	_ =	shalt  }
0x57: {  	_ =	shalt  }
0x58: {  	_ =	shalt  }
0x59: {  	_ =	shalt  }
0x5a: {  	_ =	shalt  }
0x5b: {  	_ =	shalt  }
0x5c: {  	_ =	shalt  }
0x5d: {  	_ =	shalt  }
0x5e: {  	_ =	shalt  }
0x5f: {  	_ =	shalt  }
0x60: {  	_ =	shalt  }
0x61: {  	_ =	shalt  }
0x62: {  	_ =	shalt  }
0x63: {  	_ =	shalt  }
0x64: {  	_ =	shalt  }
0x65: {  	_ =	shalt  }
0x66: {  	_ =	shalt  }
0x67: {  	_ =	shalt  }
0x68: {  	_ =	shalt  }
0x69: {  	_ =	shalt  }
0x6a: {  	_ =	shalt  }
0x6b: {  	_ =	shalt  }
0x6c: {  	_ =	shalt  }
0x6d: {  	_ =	shalt  }
0x6e: {  	_ =	shalt  }
0x6f: {  	_ =	shalt  }
0x70: {  	_ =	shalt  }
0x71: {  	_ =	shalt  }
0x72: {  	_ =	shalt  }
0x73: {  	_ =	shalt  }
0x74: {  	_ =	shalt  }
0x75: {  	_ =	shalt  }
0x76: {  	_ =	shalt  }
0x77: {  	_ =	shalt  }
0x78: {  	_ =	shalt  }
0x79: {  	_ =	shalt  }
0x7a: {  	_ =	shalt  }
0x7b: {  	_ =	shalt  }
0x7c: {  	_ =	shalt  }
0x7d: {  	_ =	shalt  }
0x7e: {  	_ =	shalt  }
0x7f: {  	_ =	shalt  }
0x80: {  	_ =	shalt  }
0x81: {  	_ =	shalt  }
0x82: {  	_ =	shalt  }
0x83: {  	_ =	shalt  }
0x84: {  	_ =	shalt  }
0x85: {  	_ =	shalt  }
0x86: {  	_ =	shalt  }
0x87: {  	_ =	shalt  }
.Lfunc_end0:
.L_simem_size_0:
called_computation.2_lowered:
.L_overlay_start_0:
0x88: {  	s2 =	sld [smem:$0x3FD9]  }
0x89: {  	s3 =	sld [smem:$0x3FFE];
	_ =	sdelay $0x1  }
0x8a: {  	s1 =	srdreg.scid  }
0x8b: {  	s0 =	sand.u32 $0x1, s1  }
0x8c: {  	s16 =	sshll.u32 s0, $0xA;
	s2 =	sadd.s32 s3, s2  }
0x8d: {  	s2 =	sadd.s32 s2, s16  }
0x8e: {  	[smem:$0x3FC1] =	sst s2  }
0x8f: {  	_ = 	snop  }
0x90: {  	(tm) =	ssettm $0x1  }
0x91: {  	s17 =	sld [smem:$0x3FFB];
	_ =	sdelay $0x3  }
0x92: {  	_ =	strace s17  }
0x93: {  	s2 =	sld [smem:$0x3FFC];
	_ =	sdelay $0x3  }
0x94: {  	_ =	strace s2  }
0x95: {  	s2 =	sld [smem:$0x3FFD];
	_ =	sdelay $0x3  }
0x96: {  	_ =	strace s2  }
0x97: {  	_ =	strace $0x8FFFFFFF  }
0x98: {  	s18 =	sld [smem:$0x3FDB];
	_ =	sdelay $0x1  }
0x99: {  	s19 =	simm.s32 $_scs_section_size  }
0x9a: {  	s4 =	simm.s32 $_size__tile_overlayer_lowered;
	s5 =	simm.s32 $_tile_overlayer_lowered  }
0x9b: {  	s22 =	simm.s32 $0x1BFF;
	s21 =	sshll.u32 s5, $0x1;
	s2 =	sadd.s32 s19, s18  }
0x9c: {  	s6 =	simm.s32 $0x0;
	s20 =	sshll.u32 s4, $0x1;
	s4 =	sadd.s32 s21, s2  }
0x9d: {  	[timem:s6], [sflag:s22] =	dma.local [hbm:s4], s20  }
0x9e: {  	_ =	swait.ge [sflag:s22], s20  }
0x9f: {  	s3 =	ssub.s32 $0x0, s20;
	[sflag:s22] =	ssyncset.done $0x0  }
0xa0: {  	[sflag:s22] =	ssyncadd.s32 s3;
	_ =	sdelay $0x1  }
0xa1: {  	s23 =	simm.s32 $0x1B8B  }
0xa2: {  	_ =	swait.ge [sflag:s23], $0x1  }
0xa3: {  	[sflag:s23] =	ssyncset.done $0x0  }
0xa4: {  	s25 =	simm.s32 $0x1B8E;
	s24 =	sld [smem:$0x3FFE];
	[sflag:s23] =	ssyncadd.s32 $0xFFFFFFFF  }
0xa5: {  	s26 =	simm.s32 $execute0_lowered;
	[smem:$0x3FD2] =	sst s25  }
0xa6: {  	s4 =	sshll.u32 s26, $0x1;
	_ =	strace $0x80000049;
	[dreg:$0x1] =	wrdreg $0xFFFFFFFF  }
0xa7: {  	s28 =	simm.s32 $_size_execute0_lowered;
	s2 =	sadd.s32 s2, s4;
	[dreg:$0x0] =	wrdreg $0x0  }
0xa8: {  	s4 =	sshll.u32 s28, $0x1;
	[dreg:$0x2] =	wrdreg s2  }
0xa9: {  	[dreg:$0x3] =	wrdreg s4  }
0xaa: {  	[dreg:$0x4] =	wrdreg $0xC0  }
0xab: {  	_ =	task [dreg:s6], $0x5FFFF  }
0xac: {  	[dreg:$0x1] =	wrdreg $0xFFFFFFFF  }
0xad: {  	[dreg:$0x0] =	wrdreg $0x60  }
0xae: {  	[dreg:$0x2] =	wrdreg s24  }
0xaf: {  	[dreg:$0x3] =	wrdreg $0x9  }
0xb0: {  	_ =	task.clear_ibuf [dreg:s6], $0x4FFFF;
	_ =	strace $0x90000049  }
0xb1: {  	s29 =	simm.s32 $0x9;
	_ =	strace $0x8000004B  }
0xb2: {  	_ =	swait.ge [sflag:s29], $0x1  }
0xb3: {  	[sflag:s29] =	ssyncadd.s32 $0xFFFFFFFF  }
0xb4: {  	_ =	strace $0x9000004B  }
0xb5: {  	_ =	sfence  }
0xb6: {  	s30 =	sld [smem:$0x0];
	_ =	sdelay $0x2  }
0xb7: {  	s31 =	sshll.u32 s1, $0xD;
	s1 =	sshrl.u32 s1, $0x2  }
0xb8: {  	s3 =	sand.u32 $0x4000, s31;
	s1 =	sadd.s32 s1, s30  }
0xb9: {  	s0 =	sor.u32 s3, s0;
	s1 =	sshll.u32 s1, $0x11  }
0xba: {  	s0 =	sor.u32 s1, s0  }
0xbb: {  	s0 =	sadd.s32 $0x8F2B, s0  }
0xbc: {  	[sflag:s0] =	ssyncadd.remote.s32 $0x1  }
0xbd: {  	_ =	sfence.sel $0xFFFF  }
0xbe: {  	[dreg:$0x0] =	wrdreg $0xFFFFFFFF;
	(pc) =	sbr.abs _section_cstart, $3  }
0xbf: {  	[dreg:$0x1] =	wrdreg $0xFFFFFFFF  }
0xc0: {  	_ =	task.clear_ibuf [dreg:s6], $0x2FFFF;
	_ =	strace $0x9FFFFFFF  }
0xc1: {  	(tm) =	ssettm $0x7FFFFFFF  }
tec
execute0_lowered:
.L_overlay_start_1:
0x0: {  	(tag) =	ssettag $0x1  }
0x1: {  	s0 =	srdreg.scid;
	s4 =	rddreg [dreg:$0x0]  }
0x2: {  	s2 =	simm.s32 $0x0;
	s11 =	simm.s32 $0x2800;
	s12 =	simm.s32 $0x1  }
0x3: {  	s13 =	simm.s32 $0xA880;
	s14 =	simm.s32 $0x6800;
	s15 =	simm.s32 $0x0  }
0x4: {  	s3 =	sand.u32 $0x1, s0;
	s0 =	stileid.u32;
	[smem:$0x7FF] =	sst s2  }
0x5: {  	s10 =	sadd.s32 $0x5AC00, s4;
	s1 =	sshll.u32 s3, $0x4;
	s6 =	smul.u32 $0x1400000, s3  }
0x6: {  	s7 =	ssub.s32 $0x2, s3;
	s8 =	smul.u32 $0x140000, s0;
	s3 =	sadd.s32 $0x1C00, s4  }
0x7: {  	s5 =	sor.u32 s0, s1;
	s1 =	rddreg [dreg:$0x1];
	_ =	strace $0x8000004A  }
0x8: {  	s9 =	sshrl.u32 s7, $0x1;
	s5 =	smul.u32 $0x500, s5;
	s6 =	sadd.s32 s8, s6  }
0x9: {  	s7 =	ssub.s32 s7, s9;
	s9 =	simm.s32 $0x80;
	s8 =	sshrl.u32 s6, $0x3  }
0xa: {  	s30 =	sor.u32 $0x4000, s6;
	s5 =	sadd.s32 s5, s4;
	s6 =	sadd.s32 s8, s10  }
0xb: {  	s31 =	sshrl.u32 s30, $0x3;
	s8 =	simm.s32 $0x2;
	s4 =	sadd.s32 $0x50C00, s5  }
0xc: {  	s5 =	smax.u32 s7, $0x1;
	s7 =	sadd.s32 s31, s10;
	s10 =	simm.s32 $0xA800  }
.LBB2_1:
0xd: {  	[tilespmem:s2], [sflag:$0x2] =	stream.linear.gather [hbm4b:s4+s2], $0x2800, $0x38;
	[tilespmem:$0xA900] =	vst v63  }
0xe: {  	_ =	swait.ge [sflag:s8], $0x2800  }
0xf: {  	[sflag:s8] =	ssyncset.done $0x0  }
0x10: {  	[sflag:s8] =	ssyncadd.s32 $0xFFFFD800  }
0x11: {  	v0 =	vld [tilespmem:s9+$0xFFFFFF80];
	_ =	sdelay $0x4  }
0x12: {  	[tilespmem:$0xA800] =	vst v0  }
0x13: {  	v0 =	vld [tilespmem:s9+$0xFFFFFF90];
	_ =	sdelay $0x4  }
0x14: {  	[tilespmem:$0xA810] =	vst v0  }
0x15: {  	v0 =	vld [tilespmem:s9+$0xFFFFFFA0];
	_ =	sdelay $0x4  }
0x16: {  	[tilespmem:$0xA820] =	vst v0  }
0x17: {  	v0 =	vld [tilespmem:s9+$0xFFFFFFB0];
	_ =	sdelay $0x4  }
0x18: {  	[tilespmem:$0xA830] =	vst v0  }
0x19: {  	v0 =	vld [tilespmem:s9+$0xFFFFFFC0];
	_ =	sdelay $0x4  }
0x1a: {  	[tilespmem:$0xA840] =	vst v0  }
0x1b: {  	v0 =	vld [tilespmem:s9+$0xFFFFFFD0];
	_ =	sdelay $0x4  }
0x1c: {  	[tilespmem:$0xA850] =	vst v0  }
0x1d: {  	v0 =	vld [tilespmem:s9+$0xFFFFFFE0];
	_ =	sdelay $0x4  }
0x1e: {  	[tilespmem:$0xA860] =	vst v0  }
0x1f: {  	v0 =	vld [tilespmem:s9+$0xFFFFFFF0];
	_ =	sdelay $0x4  }
0x20: {  	[tilespmem:$0xA870] =	vst v0  }
0x21: {  	[tilespmem:s11], [sflag:$0x1] =	stream.indirect.gather [hbm4b:s3+s9], $0x80, s10, s9, $0xb8;
	[tilespmem:$0xA900] =	vst v63  }
0x22: {  	_ =	swait.ge [sflag:s12], $0x4000  }
0x23: {  	[sflag:s12] =	ssyncset.done $0x0  }
0x24: {  	s16 =	sadd.s32 $0x0, s6;
	[sflag:s12] =	ssyncadd.s32 $0xFFFFC000  }
0x25: {  	[hbm4b:s16+s2] =	stream.linear.scatter [tilespmem:s11], [sflag:$0x2], $0x4000, $0x38;
	[tilespmem:$0xA900] =	vst v63  }
0x26: {  	_ =	swait.ge [sflag:s8], $0x4000  }
0x27: {  	[sflag:s8] =	ssyncset.done $0x0  }
0x28: {  	[sflag:s8] =	ssyncadd.s32 $0xFFFFC000  }
0x29: {  	v63 =	vld [tilespmem:s9+$0x0];
	_ =	sdelay $0x4  }
0x2a: {  	[tilespmem:$0xA880] =	vst v63  }
0x2b: {  	v0 =	vld [tilespmem:s9+$0x10];
	_ =	sdelay $0x4  }
0x2c: {  	[tilespmem:$0xA890] =	vst v0  }
0x2d: {  	v0 =	vld [tilespmem:s9+$0x20];
	_ =	sdelay $0x4  }
0x2e: {  	[tilespmem:$0xA8A0] =	vst v0  }
0x2f: {  	v0 =	vld [tilespmem:s9+$0x30];
	_ =	sdelay $0x4  }
0x30: {  	[tilespmem:$0xA8B0] =	vst v0  }
0x31: {  	v0 =	vld [tilespmem:s9+$0x40];
	_ =	sdelay $0x4  }
0x32: {  	[tilespmem:$0xA8C0] =	vst v0  }
0x33: {  	v0 =	vld [tilespmem:s9+$0x50];
	_ =	sdelay $0x4  }
0x34: {  	[tilespmem:$0xA8D0] =	vst v0  }
0x35: {  	v0 =	vld [tilespmem:s9+$0x60];
	_ =	sdelay $0x4  }
0x36: {  	[tilespmem:$0xA8E0] =	vst v0  }
0x37: {  	v0 =	vld [tilespmem:s9+$0x70];
	_ =	sdelay $0x4  }
0x38: {  	[tilespmem:$0xA8F0] =	vst v0  }
0x39: {  	[tilespmem:s14], [sflag:$0x1] =	stream.indirect.gather [hbm4b:s3+s9], $0x80, s13, s9, $0xb8;
	[tilespmem:$0xA900] =	vst v63  }
0x3a: {  	_ =	swait.ge [sflag:s12], $0x4000  }
0x3b: {  	[sflag:s12] =	ssyncset.done $0x0  }
0x3c: {  	s31 =	sadd.s32 $0x0, s7;
	[sflag:s12] =	ssyncadd.s32 $0xFFFFC000  }
0x3d: {  	[hbm4b:s31+s2] =	stream.linear.scatter [tilespmem:s14], [sflag:$0x2], $0x4000, $0x38;
	[tilespmem:$0xA900] =	vst v63  }
0x3e: {  	_ =	swait.ge [sflag:s8], $0x4000  }
0x3f: {  	s17 =	simm.s32 $0x80;
	s16 =	simm.s32 $0x1000;
	[sflag:s8] =	ssyncset.done $0x0  }
.LBB2_2:
0x40: {  	p0 =	sne.s32 s16, $0x27000;
	[sflag:s8] =	ssyncadd.s32 $0xFFFFC000;
	s17 =	sadd.s32 $0x100, s17  }
0x41: {  	s18 =	smov.u32 s16;
	s16 =	sadd.s32 $0x1000, s16;
	v0 =	vld [tilespmem:s17+$0xFFFFFF80];
	_ =	sdelay $0x4  }
0x42: {  	[tilespmem:$0xA800] =	vst v0  }
0x43: {  	v0 =	vld [tilespmem:s17+$0xFFFFFF90];
	_ =	sdelay $0x4  }
0x44: {  	[tilespmem:$0xA810] =	vst v0  }
0x45: {  	v0 =	vld [tilespmem:s17+$0xFFFFFFA0];
	_ =	sdelay $0x4  }
0x46: {  	[tilespmem:$0xA820] =	vst v0  }
0x47: {  	v0 =	vld [tilespmem:s17+$0xFFFFFFB0];
	_ =	sdelay $0x4  }
0x48: {  	[tilespmem:$0xA830] =	vst v0  }
0x49: {  	v0 =	vld [tilespmem:s17+$0xFFFFFFC0];
	_ =	sdelay $0x4  }
0x4a: {  	[tilespmem:$0xA840] =	vst v0  }
0x4b: {  	v0 =	vld [tilespmem:s17+$0xFFFFFFD0];
	_ =	sdelay $0x4  }
0x4c: {  	[tilespmem:$0xA850] =	vst v0  }
0x4d: {  	v0 =	vld [tilespmem:s17+$0xFFFFFFE0];
	_ =	sdelay $0x4  }
0x4e: {  	[tilespmem:$0xA860] =	vst v0  }
0x4f: {  	v0 =	vld [tilespmem:s17+$0xFFFFFFF0];
	_ =	sdelay $0x4  }
0x50: {  	[tilespmem:$0xA870] =	vst v0  }
0x51: {  	[tilespmem:s11], [sflag:$0x1] =	stream.indirect.gather [hbm4b:s3+s9], $0x80, s10, s9, $0xb8;
	[tilespmem:$0xA900] =	vst v63  }
0x52: {  	_ =	swait.ge [sflag:s12], $0x4000  }
0x53: {  	[sflag:s12] =	ssyncset.done $0x0  }
0x54: {  	s19 =	sadd.s32 s18, s6;
	[sflag:s12] =	ssyncadd.s32 $0xFFFFC000  }
0x55: {  	[hbm4b:s19+s2] =	stream.linear.scatter [tilespmem:s11], [sflag:$0x2], $0x4000, $0x38;
	[tilespmem:$0xA900] =	vst v63  }
0x56: {  	_ =	swait.ge [sflag:s8], $0x4000  }
0x57: {  	[sflag:s8] =	ssyncset.done $0x0  }
0x58: {  	[sflag:s8] =	ssyncadd.s32 $0xFFFFC000  }
0x59: {  	v0 =	vld [tilespmem:s17+$0x0];
	_ =	sdelay $0x4  }
0x5a: {  	[tilespmem:$0xA880] =	vst v0  }
0x5b: {  	v0 =	vld [tilespmem:s17+$0x10];
	_ =	sdelay $0x4  }
0x5c: {  	[tilespmem:$0xA890] =	vst v0  }
0x5d: {  	v0 =	vld [tilespmem:s17+$0x20];
	_ =	sdelay $0x4  }
0x5e: {  	[tilespmem:$0xA8A0] =	vst v0  }
0x5f: {  	v0 =	vld [tilespmem:s17+$0x30];
	_ =	sdelay $0x4  }
0x60: {  	[tilespmem:$0xA8B0] =	vst v0  }
0x61: {  	v0 =	vld [tilespmem:s17+$0x40];
	_ =	sdelay $0x4  }
0x62: {  	[tilespmem:$0xA8C0] =	vst v0  }
0x63: {  	v0 =	vld [tilespmem:s17+$0x50];
	_ =	sdelay $0x4  }
0x64: {  	[tilespmem:$0xA8D0] =	vst v0  }
0x65: {  	v0 =	vld [tilespmem:s17+$0x60];
	_ =	sdelay $0x4  }
0x66: {  	[tilespmem:$0xA8E0] =	vst v0  }
0x67: {  	v0 =	vld [tilespmem:s17+$0x70];
	_ =	sdelay $0x4  }
0x68: {  	[tilespmem:$0xA8F0] =	vst v0  }
0x69: {  	[tilespmem:s14], [sflag:$0x1] =	stream.indirect.gather [hbm4b:s3+s9], $0x80, s13, s9, $0xb8;
	[tilespmem:$0xA900] =	vst v63  }
0x6a: {  	_ =	swait.ge [sflag:s12], $0x4000  }
.Ltmp0:
0x6b: {  	[sflag:s12] =	ssyncset.done $0x0;
	(pc) =	sbr.rel @p0 .LBB2_2-.Ltmp0, $4  }
0x6c: {  	s18 =	sadd.s32 s18, s7;
	[sflag:s12] =	ssyncadd.s32 $0xFFFFC000  }
0x6d: {  	[hbm4b:s18+s2] =	stream.linear.scatter [tilespmem:s14], [sflag:$0x2], $0x4000, $0x38;
	[tilespmem:$0xA900] =	vst v63  }
0x6e: {  	_ =	swait.ge [sflag:s8], $0x4000  }
0x6f: {  	[sflag:s8] =	ssyncset.done $0x0  }
0x70: {  	s15 =	sadd.s32 $0x1, s15  }
0x71: {  	p0 =	sne.s32 s15, s5  }
.Ltmp1:
0x72: {  	_ = 	snop;
	(pc) =	sbr.rel @p0 .LBB2_1-.Ltmp1, $2  }
0x73: {  	_ =	sdelay $0x2  }
0x74: {  	[sflag:s8] =	ssyncadd.s32 $0xFFFFC000  }
0x75: {  	_ =	sfence.sel $0x180000  }
0x76: {  	[bflag:$0x0] =	sbarrier.arrive $0xFFFF  }
0x77: {  	p0 =	sne.s32 s0, $0x0;
	_ =	strace $0x9000004A  }
0x78: {  	s0 =	sadd.s32 @!p0 $0x100000, s1;
	[bflag:$0x2] =	sbarrier.arrive $0xFFFF  }
0x79: {  	[sflag:s0] =	ssyncadd.tile.s32 @!p0 $0x1;
	_ =	shalt  }
.Lfunc_end2:
_tile_overlayer_lowered:
.L_overlay_start_2:
0x7a: {  	(tag) =	ssettag $0x2  }
0x7b: {  	s0 =	rddreg [dreg:$0x0];
	s2 =	stileid.u32  }
0x7c: {  	s1 =	rddreg [dreg:$0x1];
	p0 =	sne.s32 s2, $0x0  }
0x7d: {  	s3 =	rddreg [dreg:$0x2];
	[bflag:$0x3] =	sbarrier.arrive $0xFFFF;
	s2 =	simm.s32 @!p0 $0x1C02  }
0x7e: {  	[timem:s3], [sflag:s2] =	dma.local @!p0 [hbm:s0], s1  }
0x7f: {  	s0 =	simm.s32 @!p0 $0x2  }
0x80: {  	_ =	swait.ge @!p0 [sflag:s0], s1  }
0x81: {  	s1 =	ssub.s32 @!p0 $0x0, s1;
	[sflag:s0] =	ssyncset.done @!p0 $0x0  }
0x82: {  	[sflag:s0] =	ssyncadd.s32 @!p0 s1  }
0x83: {  	[bflag:$0x3] =	sbarrier.arrive $0xFFFF  }
0x84: {  	_ =	shalt  }

// kernel: scatter_offload_async_start
scs
__scs_entry_jumppad:
0x0: {  	(pc) =	sbr.rel $0x88, $3  }
0x1: {  	(tag) =	ssettag $0x0;
	lr =	simm.s32 $0x1  }
0x2: {  	[smem:$0x3F9A] =	sst lr;
	_ =	strace $0xD0000000  }
0x3: {  	_ = 	snop  }
0x4: {  	_ = 	snop  }
0x5: {  	_ = 	snop  }
0x6: {  	_ = 	snop  }
0x7: {  	_ = 	snop  }
__scs_overlays_trampoline_lowered:
0x8: {  	[smem:$0x3FA9] =	sst s0  }
0x9: {  	[smem:$0x3FAA] =	sst s1  }
0xa: {  	[smem:$0x3FAB] =	sst s2  }
0xb: {  	[smem:$0x3FAC] =	sst s3  }
0xc: {  	[smem:$0x3FAD] =	sst s4  }
0xd: {  	[smem:$0x3FAE] =	sst s5  }
0xe: {  	[smem:$0x3FAF] =	sst s6  }
0xf: {  	[smem:$0x3FB0] =	sst s7  }
0x10: {  	[smem:$0x3FB1] =	sst s8  }
0x11: {  	[smem:$0x3FB2] =	sst s9;
	s0 =	simm.s32 @!p0 $0x0  }
0x12: {  	s1 =	sld [smem:$0x3F98];
	s0 =	simm.s32 @p0 $0x1  }
0x13: {  	[smem:$0x3FB3] =	sst s0;
	s0 =	simm.s32 @!p1 $0x0  }
0x14: {  	s2 =	sld [smem:$0x3F97];
	s0 =	simm.s32 @p1 $0x1  }
0x15: {  	[smem:$0x3FB4] =	sst s0;
	s0 =	simm.s32 @!p2 $0x0  }
0x16: {  	s3 =	sld [smem:$0x3FDB];
	s0 =	simm.s32 @p2 $0x1  }
0x17: {  	s4 =	simm.s32 $0x1BF5;
	[smem:$0x3FB6] =	sst s0  }
0x18: {  	s0 =	sld [smem:$0x3F99];
	_ =	swait.ge [sflag:s4], $0x0  }
0x19: {  	s7 =	sld [smem:$0x3F9A]  }
0x1a: {  	s8 =	sadd.s32 $0xFFFFE003, lr  }
0x1b: {  	s9 =	sadd.s32 $0xFFFFFEF7, lr;
	s5 =	simm.s32 $0xFFFFFFFF;
	p2 =	slt.u32 s8, $0xFFFFF086  }
0x1c: {  	p1 =	slt.u32 s9, $0xF7A;
	s5 =	simm.s32 @!p2 $0x0  }
0x1d: {  	s5 =	simm.s32 @p1 $0x1;
	p0 =	seq.s32 s7, s2  }
0x1e: {  	s7 =	smul.u32 @!p0 $0xF7A, s2;
	p2 =	seq.s32 @!p0 s5, $0x0  }
0x1f: {  	s9 =	smul.u32 $0xF7A, s1;
	s8 =	simm.s32 @!p0 $0x1BF5;
	p2 =	por !p2, p0  }
0x20: {  	[sflag:s8] =	ssyncset.s32 @!p0 $0xFFFFF086;
	s6 =	sadd.s32 @!p0 s3, s7;
	s7 =	simm.s32 @!p0 $0x108  }
0x21: {  	s3 =	sadd.s32 s3, s9;
	s6 =	sadd.s32 @!p0 $0x88, s6;
	s7 =	simm.s32 @p2 $0x1082  }
0x22: {  	[simem:s7], [sflag:s8] =	dma.local @!p0 [hbm:s6], $0xF7A  }
0x23: {  	s9 =	sor.u32 $0xD0000000, s2;
	s6 =	simm.s32 $0x108;
	_ =	swait.ge @!p0 [sflag:s8], $0x0  }
0x24: {  	s3 =	sadd.s32 $0x88, s3;
	s6 =	simm.s32 @!p1 $0x1082;
	[sflag:s4] =	ssyncset.s32 $0xFFFFF086  }
0x25: {  	[simem:s6], [sflag:s4] =	dma.local [hbm:s3], $0xF7A  }
0x26: {  	[smem:$0x3F9A] =	sst s1;
	(tag) =	ssettag s2;
	_ =	strace s9  }
0x27: {  	s1 =	sld [smem:$0x3FAA]  }
0x28: {  	s2 =	sld [smem:$0x3FAB]  }
0x29: {  	s4 =	sld [smem:$0x3FAD]  }
0x2a: {  	p0 =	seq.s32 s5, $0x0;
	s5 =	sld [smem:$0x3FAE]  }
0x2b: {  	s6 =	sld [smem:$0x3FAF]  }
0x2c: {  	s7 =	sld [smem:$0x3FB0]  }
0x2d: {  	s3 =	simm.s32 $0x108;
	s8 =	sld [smem:$0x3FB1]  }
0x2e: {  	s3 =	simm.s32 @!p0 $0x1082;
	s9 =	sld [smem:$0x3FB2]  }
0x2f: {  	lr =	sadd.s32 s0, s3;
	s0 =	sld [smem:$0x3FA9]  }
0x30: {  	s3 =	sld [smem:$0x3FAC]  }
0x31: {  	[smem:$0x3FB5] =	sst s10  }
0x32: {  	s10 =	sld [smem:$0x3FB3];
	_ =	sdelay $0x3  }
0x33: {  	p0 =	seq.s32 s10, $0x1;
	s10 =	sld [smem:$0x3FB5];
	_ =	sdelay $0x3  }
0x34: {  	[smem:$0x3FB5] =	sst s10  }
0x35: {  	s10 =	sld [smem:$0x3FB4];
	_ =	sdelay $0x3  }
0x36: {  	p1 =	seq.s32 s10, $0x1;
	s10 =	sld [smem:$0x3FB5];
	_ =	sdelay $0x3  }
0x37: {  	[smem:$0x3FB5] =	sst s10  }
0x38: {  	s10 =	sld [smem:$0x3FB6]  }
0x39: {  	_ = 	snop;
	(pc) =	sbr.ind lr, $3  }
0x3a: {  	_ = 	snop  }
0x3b: {  	_ = 	snop  }
0x3c: {  	p2 =	seq.s32 s10, $0x1;
	s10 =	sld [smem:$0x3FB5]  }
0x3d: {  	_ =	shalt  }
0x3e: {  	_ =	shalt  }
0x3f: {  	_ =	shalt  }
0x40: {  	_ =	shalt  }
0x41: {  	_ =	shalt  }
0x42: {  	_ =	shalt  }
0x43: {  	_ =	shalt  }
0x44: {  	_ =	shalt  }
0x45: {  	_ =	shalt  }
0x46: {  	_ =	shalt  }
0x47: {  	_ =	shalt  }
0x48: {  	_ =	shalt  }
0x49: {  	_ =	shalt  }
0x4a: {  	_ =	shalt  }
0x4b: {  	_ =	shalt  }
0x4c: {  	_ =	shalt  }
0x4d: {  	_ =	shalt  }
0x4e: {  	_ =	shalt  }
0x4f: {  	_ =	shalt  }
0x50: {  	_ =	shalt  }
0x51: {  	_ =	shalt  }
0x52: {  	_ =	shalt  }
0x53: {  	_ =	shalt  }
0x54: {  	_ =	shalt  }
0x55: {  	_ =	shalt  }
0x56: {  	_ =	shalt  }
0x57: {  	_ =	shalt  }
0x58: {  	_ =	shalt  }
0x59: {  	_ =	shalt  }
0x5a: {  	_ =	shalt  }
0x5b: {  	_ =	shalt  }
0x5c: {  	_ =	shalt  }
0x5d: {  	_ =	shalt  }
0x5e: {  	_ =	shalt  }
0x5f: {  	_ =	shalt  }
0x60: {  	_ =	shalt  }
0x61: {  	_ =	shalt  }
0x62: {  	_ =	shalt  }
0x63: {  	_ =	shalt  }
0x64: {  	_ =	shalt  }
0x65: {  	_ =	shalt  }
0x66: {  	_ =	shalt  }
0x67: {  	_ =	shalt  }
0x68: {  	_ =	shalt  }
0x69: {  	_ =	shalt  }
0x6a: {  	_ =	shalt  }
0x6b: {  	_ =	shalt  }
0x6c: {  	_ =	shalt  }
0x6d: {  	_ =	shalt  }
0x6e: {  	_ =	shalt  }
0x6f: {  	_ =	shalt  }
0x70: {  	_ =	shalt  }
0x71: {  	_ =	shalt  }
0x72: {  	_ =	shalt  }
0x73: {  	_ =	shalt  }
0x74: {  	_ =	shalt  }
0x75: {  	_ =	shalt  }
0x76: {  	_ =	shalt  }
0x77: {  	_ =	shalt  }
0x78: {  	_ =	shalt  }
0x79: {  	_ =	shalt  }
0x7a: {  	_ =	shalt  }
0x7b: {  	_ =	shalt  }
0x7c: {  	_ =	shalt  }
0x7d: {  	_ =	shalt  }
0x7e: {  	_ =	shalt  }
0x7f: {  	_ =	shalt  }
0x80: {  	_ =	shalt  }
0x81: {  	_ =	shalt  }
0x82: {  	_ =	shalt  }
0x83: {  	_ =	shalt  }
0x84: {  	_ =	shalt  }
0x85: {  	_ =	shalt  }
0x86: {  	_ =	shalt  }
0x87: {  	_ =	shalt  }
.Lfunc_end0:
.L_simem_size_0:
called_computation_lowered:
.L_overlay_start_0:
0x88: {  	s2 =	sld [smem:$0x3FD9]  }
0x89: {  	s3 =	sld [smem:$0x3FFE];
	_ =	sdelay $0x1  }
0x8a: {  	s1 =	srdreg.scid  }
0x8b: {  	s0 =	sand.u32 $0x1, s1  }
0x8c: {  	s13 =	sshll.u32 s0, $0xA;
	s2 =	sadd.s32 s3, s2  }
0x8d: {  	s2 =	sadd.s32 s2, s13  }
0x8e: {  	[smem:$0x3FC1] =	sst s2  }
0x8f: {  	_ = 	snop  }
0x90: {  	s2 =	sld [smem:$0x3FD0];
	_ =	sdelay $0x2  }
0x91: {  	s14 =	simm.s32 $0xA;
	s4 =	simm.s32 $0x10  }
0x92: {  	[smem:s4], [sflag:s14] =	dma.local [hbm:s2], $0x1  }
0x93: {  	_ =	swait.eq [sflag:s14], $0x1  }
0x94: {  	[sflag:s14] =	ssyncset.done $0x0  }
0x95: {  	[sflag:s14] =	ssyncadd.s32 $0xFFFFFFFF  }
0x96: {  	s15 =	sld [smem:$0x11];
	(tm) =	ssettm $0x1  }
0x97: {  	s16 =	sld [smem:$0x3FFB];
	_ =	sdelay $0x3  }
0x98: {  	_ =	strace s16  }
0x99: {  	s3 =	sld [smem:$0x3FFC];
	_ =	sdelay $0x3  }
0x9a: {  	_ =	strace s3  }
0x9b: {  	s3 =	sld [smem:$0x3FFD];
	_ =	sdelay $0x3  }
0x9c: {  	_ =	strace s3  }
0x9d: {  	_ =	strace $0x8FFFFFFF  }
0x9e: {  	s17 =	sld [smem:$0x3FDB];
	_ =	sdelay $0x1  }
0x9f: {  	s18 =	simm.s32 $_scs_section_size  }
0xa0: {  	s5 =	simm.s32 $_size__tile_overlayer_lowered;
	s6 =	simm.s32 $_tile_overlayer_lowered  }
0xa1: {  	s21 =	simm.s32 $0x1BFF;
	s20 =	sshll.u32 s6, $0x1;
	s3 =	sadd.s32 s18, s17  }
0xa2: {  	s7 =	simm.s32 $0x0;
	s19 =	sshll.u32 s5, $0x1;
	s5 =	sadd.s32 s20, s3  }
0xa3: {  	[timem:s7], [sflag:s21] =	dma.local [hbm:s5], s19  }
0xa4: {  	_ =	swait.ge [sflag:s21], s19  }
0xa5: {  	s4 =	ssub.s32 $0x0, s19;
	[sflag:s21] =	ssyncset.done $0x0  }
0xa6: {  	[sflag:s21] =	ssyncadd.s32 s4;
	_ =	sdelay $0x1  }
0xa7: {  	s22 =	simm.s32 $0x1B8B  }
0xa8: {  	_ =	swait.ge [sflag:s22], $0x1  }
0xa9: {  	[sflag:s22] =	ssyncset.done $0x0  }
0xaa: {  	s23 =	sld [smem:$0x3FFE];
	[sflag:s22] =	ssyncadd.s32 $0xFFFFFFFF  }
0xab: {  	s25 =	simm.s32 $0x1B8E;
	s24 =	sld [smem:$0x0]  }
0xac: {  	s26 =	simm.s32 $execute0_lowered;
	[smem:$0x3FD2] =	sst s25  }
0xad: {  	s6 =	sshll.u32 s26, $0x1;
	_ =	strace $0x8000004C;
	[dreg:$0x1] =	wrdreg $0xFFFFFFFF  }
0xae: {  	s28 =	simm.s32 $_size_execute0_lowered;
	s3 =	sadd.s32 s3, s6;
	[dreg:$0x0] =	wrdreg $0x0  }
0xaf: {  	s6 =	sshll.u32 s28, $0x1;
	[dreg:$0x2] =	wrdreg s3  }
0xb0: {  	[dreg:$0x3] =	wrdreg s6  }
0xb1: {  	[dreg:$0x4] =	wrdreg $0xC0  }
0xb2: {  	_ =	task [dreg:s7], $0x5FFFF  }
0xb3: {  	[dreg:$0x1] =	wrdreg $0xFFFFFFFF  }
0xb4: {  	[dreg:$0x0] =	wrdreg $0x60  }
0xb5: {  	[dreg:$0x2] =	wrdreg s23  }
0xb6: {  	[dreg:$0x3] =	wrdreg s15  }
0xb7: {  	[dreg:$0x4] =	wrdreg s1  }
0xb8: {  	[dreg:$0x5] =	wrdreg s24  }
0xb9: {  	[dreg:$0x6] =	wrdreg $0x9  }
0xba: {  	_ =	task.clear_ibuf [dreg:s7], $0x7FFFF;
	_ =	strace $0x9000004C  }
0xbb: {  	s29 =	simm.s32 $0x9;
	_ =	strace $0x8000004E  }
0xbc: {  	_ =	swait.ge [sflag:s29], $0x1  }
0xbd: {  	[sflag:s29] =	ssyncadd.s32 $0xFFFFFFFF  }
0xbe: {  	_ =	strace $0x9000004E  }
0xbf: {  	_ =	sfence  }
0xc0: {  	s30 =	sld [smem:$0x0];
	_ =	sdelay $0x2  }
0xc1: {  	s31 =	sshll.u32 s1, $0xD;
	s1 =	sshrl.u32 s1, $0x2  }
0xc2: {  	s3 =	sand.u32 $0x4000, s31;
	s1 =	sadd.s32 s1, s30  }
0xc3: {  	s0 =	sor.u32 s3, s0;
	s1 =	sshll.u32 s1, $0x11  }
0xc4: {  	s0 =	sor.u32 s1, s0  }
0xc5: {  	s0 =	sadd.s32 $0x8F2B, s0  }
0xc6: {  	[sflag:s0] =	ssyncadd.remote.s32 $0x1  }
0xc7: {  	_ =	sfence.sel $0xFFFF  }
0xc8: {  	[dreg:$0x0] =	wrdreg $0xFFFFFFFF;
	(pc) =	sbr.abs _section_cstart, $3  }
0xc9: {  	[dreg:$0x1] =	wrdreg $0xFFFFFFFF  }
0xca: {  	_ =	task.clear_ibuf [dreg:s7], $0x2FFFF;
	_ =	strace $0x9FFFFFFF  }
0xcb: {  	(tm) =	ssettm $0x7FFFFFFF  }
tec
execute0_lowered:
.L_overlay_start_1:
0x0: {  	(tag) =	ssettag $0x1  }
0x1: {  	s2 =	rddreg [dreg:$0x0]  }
0x2: {  	s15 =	rddreg [dreg:$0x1]  }
0x3: {  	s3 =	rddreg [dreg:$0x2];
	_ =	strace $0x8000004D;
	s0 =	simm.s32 $0x1  }
0x4: {  	v0 =	vimm.s32 $0x0;
	[sflag:s0] =	ssyncpa.u1 $0x0;
	s0 =	simm.s32 $0x108  }
0x5: {  	[tilespmem:s0+$0x70] =	vst v0  }
0x6: {  	[tilespmem:s0+$0x60] =	vst v0  }
0x7: {  	[tilespmem:s0+$0x50] =	vst v0  }
0x8: {  	[tilespmem:s0+$0x40] =	vst v0  }
0x9: {  	[tilespmem:s0+$0x30] =	vst v0  }
0xa: {  	s1 =	sadd.s32 $0x564C00, s2;
	s6 =	sadd.s32 $0x5AC00, s2;
	[tilespmem:s0+$0x20] =	vst v0  }
0xb: {  	s14 =	sadd.s32 $0x55AC00, s2;
	s5 =	sand.u32 $0x1, s3;
	s3 =	simm.s32 $0x40;
	[tilespmem:s0+$0x10] =	vst v0  }
.LBB2_1:
0xc: {  	s3 =	sadd.s32 $0x40, s3;
	[tilespmem:s0+$0x0] =	vst v0;
	s0 =	sadd.s32 $0x80, s0  }
0xd: {  	p0 =	slt.u32 s3, $0x3C40;
	[tilespmem:s0+$0x70] =	vst v0  }
0xe: {  	[tilespmem:s0+$0x60] =	vst v0  }
.Ltmp0:
0xf: {  	[tilespmem:s0+$0x50] =	vst v0;
	(pc) =	sbr.rel @p0 .LBB2_1-.Ltmp0, $4  }
0x10: {  	[tilespmem:s0+$0x40] =	vst v0  }
0x11: {  	[tilespmem:s0+$0x30] =	vst v0  }
0x12: {  	[tilespmem:s0+$0x20] =	vst v0  }
0x13: {  	[tilespmem:s0+$0x10] =	vst v0  }
0x14: {  	s9 =	stileid.u32  }
0x15: {  	s2 =	smul.u32 $0x2A, s9  }
0x16: {  	s3 =	smin.u32 s9, $0xB  }
0x17: {  	s2 =	sadd.s32 s3, s2  }
0x18: {  	p0 =	slt.u32 s9, $0xB;
	s7 =	smul.u32 $0xF0, s2;
	s2 =	simm.s32 $0x2850  }
0x19: {  	s2 =	simm.s32 @!p0 $0x2760  }
0x1a: {  	s2 =	sadd.s32 s2, s7  }
0x1b: {  	s8 =	smin.u32 s2, $0x28000  }
0x1c: {  	s2 =	ssub.s32 s8, s7  }
0x1d: {  	p0 =	sgt.s32 s2, $0x0  }
0x1e: {  	s29 =	simm.s32 $0x2;
	s10 =	simm.s32 $0x9;
	s2 =	simm.s32 @!p0 $0x0  }
0x1f: {  	s4 =	simm.s32 $0xA;
	s11 =	simm.s32 $0xB;
	s28 =	smulhi.u32 $0x88888889, s2  }
0x20: {  	[dreg:$0x5] =	wrdreg s5;
	s31 =	smul.u32 $0x5000, s5;
	s12 =	simm.s32 $0x1  }
0x21: {  	s22 =	simm.s32 $0x0;
	s18 =	simm.s32 $0xC;
	s30 =	sshrl.u32 s28, $0x7  }
0x22: {  	s20 =	simm.s32 $0x0;
	s21 =	simm.s32 $0x0;
	s3 =	smul.u32 $0xF0, s30  }
.Ltmp1:
0x23: {  	[tilespmem:s0+$0x0] =	vst v0;
	v0 =	vimm.s32 $0xFFFFFFFF;
	[sflag:s29] =	ssyncpa.u1 $0x0;
	s16 =	sshll.u32 s9, $0x8;
	(pc) =	sbr.rel .LBB2_3-.Ltmp1, $4  }
0x24: {  	[tilespmem:$0xF208] =	vst v0;
	[sflag:s10] =	ssyncpa.u1 $0x0;
	p0 =	sne.s32 s2, s3;
	s2 =	simm.s32 $0x1  }
0x25: {  	s14 =	sadd.s32 s31, s14;
	[sflag:s4] =	ssyncpa.u1 $0x0;
	s2 =	simm.s32 @!p0 $0x0  }
0x26: {  	s15 =	sadd.s32 s31, s15;
	[sflag:s11] =	ssyncpa.u1 $0x0;
	s13 =	sadd.s32 s2, s30  }
0x27: {  	v0 =	vlaneseq.u32;
	s19 =	smov.u32 s7;
	p0 =	por $0x0, $0x0;
	s17 =	sadd.s32 $0x1, s13  }
.LBB2_18:
0x28: {  	s0 =	sshrl.u32 s31, $0x2  }
.LBB2_20:
0x29: {  	_ =	swait.ge [sflag:s18], s0  }
0x2a: {  	s31 =	ssub.s32 $0x0, s0;
	v1 =	vmov s24;
	vm0 =	veq.s32 v0, $0x0;
	[sflag:s18] =	ssyncset.done $0x0  }
0x2b: {  	vm15 =	veq.s32 v0, $0x2;
	v1 =	vsel vm0, s30, v1;
	[sflag:s18] =	ssyncadd.s32 s31  }
0x2c: {  	v1 =	vsel vm15, s22, v1;
	[sflag:s18] =	ssyncpa.u1 $0x1  }
0x2d: {  	[tilespmem:$0xF208] =	vst v1  }
.LBB2_21:
0x2e: {  	s0 =	sadd.s32 $0xF0, s19  }
0x2f: {  	s2 =	smov.u32 s7;
	p1 =	slt.s32 s0, s8  }
0x30: {  	s2 =	smov.u32 @p1 s0;
	p1 =	sne.s32 s21, s17  }
.Ltmp2:
0x31: {  	_ = 	snop;
	(pc) =	sbr.rel @!p1 .LBB2_22-.Ltmp2, $3  }
0x32: {  	_ =	sdelay $0x1  }
0x33: {  	s22 =	smov.u32 s20;
	s31 =	sadd.s32 $0x1, s21;
	s20 =	smov.u32 s19  }
0x34: {  	p0 =	por !p0, !p0;
	s21 =	smov.u32 s31;
	s19 =	smov.u32 s2  }
.LBB2_3:
0x35: {  	p1 =	sge.u32 s21, s13  }
0x36: {  	s0 =	smulhi.u32 @!p1 $0xAAAAAAAB, s21  }
0x37: {  	s2 =	smov.u32 s19;
	p2 =	sgt.s32 @!p1 s19, $0x27F10  }
0x38: {  	s3 =	sshra.s32 @!p1 s19, $0x1F;
	p2 =	por !p2, p1;
	s0 =	sshrl.u32 @!p1 s0, $0x1  }
0x39: {  	s3 =	sand.u32 @!p1 s3, s19;
	s2 =	simm.s32 @p2 $0x27F10;
	s0 =	smul.u32 @!p1 $0x3, s0  }
0x3a: {  	s2 =	ssub.s32 @!p1 s2, s3  }
0x3b: {  	s2 =	sadd.s32 @!p1 $0xFFFD80F0, s2;
	s0 =	ssub.s32 @!p1 s21, s0  }
0x3c: {  	s3 =	sshll.u32 @!p1 s2, $0x2;
	p2 =	sgt.s32 @!p1 s2, $0xEF;
	s0 =	smul.u32 @!p1 $0x3C0, s0  }
0x3d: {  	s4 =	sand.u32 @!p1 $0x7, s19;
	s2 =	ssub.s32 @!p1 $0x3C0, s3;
	p2 =	por !p2, p1  }
0x3e: {  	s3 =	sshrl.u32 @!p1 s19, $0x3;
	s2 =	sshrl.u32 @!p1 s2, $0x2;
	s0 =	sshrl.u32 @!p1 s0, $0x2  }
0x3f: {  	s3 =	sadd.s32 @!p1 s3, s14;
	s2 =	simm.s32 @!p2 $0x0;
	s0 =	sadd.s32 @!p1 $0x10248, s0  }
0x40: {  	[tilespmem:s0], [sflag:$0xA] =	stream.linear.gather @!p1 [hbm4b:s3+s4], s2, $0x38;
	[tilespmem:$0x1F6F8] =	vst v63  }
0x41: {  	s0 =	sadd.s32 $0xFFFFFFFF, s21  }
0x42: {  	p1 =	sge.u32 s0, s13  }
0x43: {  	p2 =	sgt.s32 @!p1 s20, $0x27F10  }
0x44: {  	s2 =	smov.u32 s20;
	s3 =	sshra.s32 @!p1 s20, $0x1F;
	p2 =	por !p2, p1  }
0x45: {  	s3 =	sand.u32 @!p1 s3, s20;
	s2 =	simm.s32 @p2 $0x27F10  }
0x46: {  	s2 =	ssub.s32 @!p1 s2, s3  }
0x47: {  	s2 =	sadd.s32 @!p1 $0xFFFD80F0, s2  }
0x48: {  	s4 =	sand.u32 @!p1 $0x1, s0;
	s3 =	sshll.u32 @!p1 s2, $0x2  }
0x49: {  	p2 =	sgt.s32 @!p1 s2, $0xEF;
	s2 =	ssub.s32 @!p1 $0x3C0, s3;
	s3 =	smulhi.u32 @!p1 $0xAAAAAAAB, s0  }
0x4a: {  	s23 =	smul.u32 @!p1 $0x3C0, s4;
	p2 =	por !p2, p1;
	s2 =	sshrl.u32 @!p1 s2, $0x2  }
0x4b: {  	s5 =	simm.s32 @!p1 $0xA;
	s2 =	simm.s32 @!p2 $0x0;
	s3 =	sshrl.u32 @!p1 s3, $0x1  }
0x4c: {  	s23 =	sshrl.u32 @!p1 s23, $0x2;
	_ =	swait.ge @!p1 [sflag:s5], s2;
	s3 =	smul.u32 @!p1 $0x3, s3  }
0x4d: {  	s23 =	sadd.s32 @!p1 $0x10518, s23;
	s24 =	ssub.s32 @!p1 $0x0, s2;
	[sflag:s5] =	ssyncset.done @!p1 $0x0  }
0x4e: {  	[sflag:s5] =	ssyncadd.s32 @!p1 s24;
	s5 =	sshrl.u32 @!p1 s20, $0x3;
	s0 =	ssub.s32 @!p1 s0, s3  }
0x4f: {  	s24 =	sand.u32 @!p1 $0x7, s20;
	s5 =	sadd.s32 @!p1 s5, s15;
	s0 =	smul.u32 @!p1 $0x3C0, s0  }
0x50: {  	[tilespmem:s23], [sflag:$0xB] =	stream.linear.gather @!p1 [hbm4b:s5+s24], s2, $0x38;
	[tilespmem:$0x1F6F8] =	vst v63  }
0x51: {  	s3 =	ssub.s32 @!p1 $0x28000, s20;
	s2 =	smul.u32 @!p1 $0x1E000, s4  }
0x52: {  	p2 =	slt.s32 @!p1 s3, $0xF0  }
0x53: {  	p2 =	por !p2, p1;
	s0 =	sshrl.u32 @!p1 s0, $0x2;
	s2 =	sshrl.u32 @!p1 s2, $0x2  }
0x54: {  	s3 =	simm.s32 @p2 $0xF0;
	s0 =	sadd.s32 @!p1 $0x10248, s0;
	s2 =	sor.u32 @!p1 $0x106F8, s2  }
0x55: {  	[tilespmem:s2], [sflag:$0x9] =	stream.indirect.gather @!p1 [hbm4b:s6+s3], $0x80, s0, s3, $0xb8;
	[tilespmem:$0x1F6F8] =	vst v63  }
0x56: {  	p1 =	slt.u32 s21, $0x2  }
.Ltmp3:
0x57: {  	_ = 	snop;
	(pc) =	sbr.rel @p1 .LBB2_21-.Ltmp3, $1  }
0x58: {  	_ =	sdelay $0x3  }
0x59: {  	p1 =	sgt.s32 s22, $0x27F10  }
0x5a: {  	s0 =	smov.u32 s22;
	s2 =	sshra.s32 s22, $0x1F;
	s3 =	ssub.s32 $0x28000, s22  }
0x5b: {  	s0 =	simm.s32 @!p1 $0x27F10;
	s2 =	sand.u32 s2, s22;
	p1 =	slt.s32 s3, $0xF0  }
0x5c: {  	s0 =	ssub.s32 s0, s2;
	s3 =	simm.s32 @!p1 $0xF0  }
0x5d: {  	s0 =	sadd.s32 $0xFFFD80F0, s0;
	s25 =	sshll.u32 s3, $0x7  }
0x5e: {  	s26 =	sshll.u32 s0, $0x2;
	s2 =	sand.u32 $0x3FFFFF80, s25  }
0x5f: {  	p1 =	sgt.s32 s0, $0xEF;
	s29 =	ssub.s32 $0x3C0, s26;
	_ =	swait.ge [sflag:s10], s2  }
0x60: {  	s2 =	ssub.s32 $0x0, s2;
	[sflag:s10] =	ssyncset.done $0x0;
	s0 =	sshrl.u32 s29, $0x2  }
0x61: {  	[sflag:s10] =	ssyncadd.s32 s2;
	s0 =	simm.s32 @p1 $0x0  }
0x62: {  	_ =	swait.ge [sflag:s11], s0  }
0x63: {  	s0 =	ssub.s32 $0x0, s0;
	[sflag:s11] =	ssyncset.done $0x0  }
0x64: {  	[sflag:s11] =	ssyncadd.s32 s0  }
0x65: {  	v1 =	vld [tilespmem:$0xF208];
	_ =	sdelay $0x4  }
0x66: {  	(v2sf) =	vpush v1, $0x0  }
0x67: {  	(v2sf) =	vpush v1, $0x1  }
0x68: {  	(v2sf) =	vpush v1, $0x2;
	_ =	sdelay $0x3  }
0x69: {  	s0 =	sadd.s32 $0xF0, s22  }
0x6a: {  	s2 =	ssub.s32 $0x50000, s22;
	p1 =	slt.s32 s8, s0  }
0x6b: {  	s0 =	smov.u32 @p1 s8;
	p1 =	sgt.s32 s2, $0x0  }
0x6c: {  	s26 =	ssub.s32 s0, s22;
	s2 =	simm.s32 @!p1 $0x0  }
0x6d: {  	p1 =	slt.s32 s2, s26  }
0x6e: {  	s26 =	smov.u32 @p1 s2  }
0x6f: {  	s25 =	simm.s32 $0x1;
	p1 =	slt.s32 s26, $0x1  }
.Ltmp4:
0x70: {  	s25 =	simm.s32 @!p0 $0x0;
	(pc) =	sbr.rel @p1 .LBB2_8-.Ltmp4, $4  }
0x71: {  	s31 =	smul.u32 $0x3C0, s25  }
0x72: {  	s28 =	spop (v2sf)  }
0x73: {  	s0 =	sshrl.u32 s31, $0x2;
	s30 =	spop (v2sf)  }
0x74: {  	s23 =	sadd.s32 $0x10518, s0;
	s22 =	spop (v2sf)  }
0x75: {  	s0 =	smin.u32 s26, $0x10  }
0x76: {  	v1 =	vmov s0  }
0x77: {  	p2 =	sgt.s32 s26, $0x10;
	vm1 =	vgt.u32 v1, v0  }
.Ltmp5:
0x78: {  	_ = 	snop;
	(pc) =	sbr.rel @!p2 .LBB2_7-.Ltmp5, $2  }
0x79: {  	_ =	sdelay $0x2  }
0x7a: {  	s4 =	simm.s32 $0x10;
	s24 =	sadd.s32 $0xFFFFFFF0, s26;
	s0 =	smov.u32 s23;
	vm0 =	vmmov vm1  }
.LBB2_6:
0x7b: {  	s2 =	smin.u32 s24, $0x10;
	s4 =	sadd.s32 $0x10, s4;
	v1 =	vld.msk [tilespmem:s0+$0x0 ss:$0x1], vm1  }
0x7c: {  	v2 =	vmov s2;
	p2 =	slt.s32 s4, s26  }
0x7d: {  	vm1 =	vgt.u32 v2, v0  }
.Ltmp6:
0x7e: {  	(pc) =	sbr.rel @p2 .LBB2_6-.Ltmp6, $3  }
0x7f: {  	_ =	sdelay $0x1  }
0x80: {  	v1 =	vshll.u32 v1, $0x4  }
0x81: {  	s24 =	sadd.s32 $0xFFFFFFF0, s24;
	[tilespmem:s0+$0x0] =	vst.msk vm0, v1;
	s0 =	sadd.s32 $0x10, s0;
	vm0 =	vmmov vm1  }
.LBB2_7:
0x82: {  	_ =	sdelay $0x4  }
0x83: {  	v1 =	vld.msk [tilespmem:s0+$0x0 ss:$0x1], vm1;
	_ =	sdelay $0x4  }
0x84: {  	v1 =	vshll.u32 v1, $0x4  }
0x85: {  	[tilespmem:s0+$0x0] =	vst.msk vm0, v1  }
.LBB2_8:
0x86: {  	s0 =	sand.u32 $0x1, s21  }
0x87: {  	s0 =	smul.u32 $0xF0, s0  }
0x88: {  	p2 =	sne.s32 s30, $0xFFFFFFFF  }
0x89: {  	v1 =	vld.msk @!p2 [tilespmem:s0+$0x10518], $0x1;
	_ =	sdelay $0x4  }
0x8a: {  	(v2sf) =	vpush @!p2 v1, $0x0;
	_ =	sdelay $0xc  }
.Ltmp7:
0x8b: {  	_ = 	snop;
	(pc) =	sbr.rel @p1 .LBB2_19-.Ltmp7, $4  }
0x8c: {  	_ = 	snop  }
0x8d: {  	s29 =	spop @!p2 (v2sf)  }
0x8e: {  	s22 =	simm.s32 @!p2 $0x0;
	s24 =	smov.u32 s29  }
0x8f: {  	[sflag:s18] =	ssyncpa.u1 $0x0;
	s29 =	smov.u32 @p2 s28;
	s24 =	smov.u32 @p2 s30  }
0x90: {  	v1 =	vld.msk [tilespmem:s23+$0x0], $0x1;
	_ =	sdelay $0x4  }
0x91: {  	(v2sf) =	vpush v1, $0x0;
	_ =	sdelay $0xe  }
0x92: {  	s2 =	smul.u32 $0x1E000, s25;
	s0 =	spop (v2sf)  }
0x93: {  	s26 =	ssub.s32 $0x0, s26;
	p1 =	seq.s32 s29, s0  }
0x94: {  	s30 =	sadd.s32 $0x1, s26;
	s2 =	sshrl.u32 s2, $0x2;
	p2 =	sgt.s32 @!p1 s29, $0x0  }
0x95: {  	s25 =	sor.u32 $0x10738, s2;
	s2 =	smov.u32 s29;
	p2 =	por !p2, p1  }
0x96: {  	s2 =	simm.s32 @p2 $0x0;
	p2 =	seq.s32 s30, $0x0  }
.Ltmp8:
0x97: {  	_ = 	snop;
	(pc) =	sbr.rel @p2 .LBB2_11-.Ltmp8, $4  }
0x98: {  	_ = 	snop  }
0x99: {  	s28 =	simm.s32 $0x0;
	s31 =	sadd.s32 $0x1, s23;
	s2 =	smin.u32 @!p1 s2, $0x277F0  }
0x9a: {  	s4 =	simm.s32 @!p1 $0x1;
	s5 =	simm.s32 @!p1 $0x7988;
	s3 =	sand.u32 @!p1 $0x3FFF8, s2  }
0x9b: {  	s4 =	smov.u32 @p1 s28;
	s2 =	sand.u32 @!p1 $0x7, s2;
	s3 =	sadd.s32 @!p1 s1, s3  }
.LBB2_10:
0x9c: {  	s9 =	smov.u32 s4  }
0x9d: {  	[tilespmem:s5], [sflag:$0x2] =	stream.linear.gather @!p1 [hbm4b:s3+s2], $0x80, $0x38;
	[tilespmem:$0x1F6F8] =	vst v63  }
0x9e: {  	s30 =	sadd.s32 $0x1, s30;
	s2 =	smov.u32 s0;
	v1 =	vld.msk [tilespmem:s31+$0x0], $0x1  }
0x9f: {  	p2 =	seq.s32 s30, $0x0;
	_ =	sdelay $0x3  }
0xa0: {  	(v2sf) =	vpush v1, $0x0;
	_ =	sdelay $0xe  }
0xa1: {  	s0 =	spop (v2sf)  }
0xa2: {  	p1 =	seq.s32 s2, s0  }
0xa3: {  	p3 =	sgt.s32 @!p1 s2, $0x0;
	s3 =	sshll.u32 @!p1 s4, $0x9;
	s4 =	sadd.s32 @!p1 $0x1, s4  }
.Ltmp9:
0xa4: {  	p3 =	por !p3, p1;
	s3 =	sshra.s32 @!p1 s3, $0x2;
	(pc) =	sbr.rel @!p2 .LBB2_10-.Ltmp9, $4  }
0xa5: {  	s4 =	smov.u32 @p1 s9;
	s2 =	simm.s32 @p3 $0x0;
	s5 =	sadd.s32 @!p1 $0x7988, s3  }
0xa6: {  	s2 =	smin.u32 @!p1 s2, $0x277F0  }
0xa7: {  	s3 =	sand.u32 @!p1 $0x3FFF8, s2;
	s2 =	sand.u32 @!p1 $0x7, s2  }
0xa8: {  	s31 =	sadd.s32 $0x1, s31;
	s3 =	sadd.s32 @!p1 s1, s3  }
.LBB2_11:
0xa9: {  	[tilespmem:s5], [sflag:$0x2] =	stream.linear.gather @!p1 [hbm4b:s3+s2], $0x80, $0x38;
	[tilespmem:$0x1F6F8] =	vst v63  }
.Ltmp10:
0xaa: {  	s0 =	sshll.u32 s4, $0x7;
	(pc) =	sbr.rel .LBB2_12-.Ltmp10, $4  }
0xab: {  	s30 =	simm.s32 $0x2;
	s0 =	sand.u32 $0x3FFFFF80, s0  }
0xac: {  	_ =	swait.ge [sflag:s30], s0  }
0xad: {  	s0 =	ssub.s32 $0x0, s0;
	[sflag:s30] =	ssyncset.done $0x0  }
0xae: {  	s31 =	simm.s32 $0x0;
	[sflag:s30] =	ssyncadd.s32 s0  }
.LBB2_13:
0xaf: {  	v1 =	vld [tilespmem:s25+$0xFFFFFFC0];
	_ =	sdelay $0x3  }
0xb0: {  	s0 =	sshra.s32 s0, $0x2  }
0xb1: {  	[tilespmem:s0+$0x108] =	vst.add.f32.msk $0xffff, v1  }
0xb2: {  	v1 =	vld [tilespmem:s25+$0xFFFFFFD0];
	_ =	sdelay $0x4  }
0xb3: {  	[tilespmem:s0+$0x118] =	vst.add.f32.msk $0xffff, v1  }
0xb4: {  	v1 =	vld [tilespmem:s25+$0xFFFFFFE0];
	_ =	sdelay $0x4  }
0xb5: {  	[tilespmem:s0+$0x128] =	vst.add.f32.msk $0xffff, v1  }
0xb6: {  	v1 =	vld [tilespmem:s25+$0xFFFFFFF0];
	_ =	sdelay $0x4  }
0xb7: {  	[tilespmem:s0+$0x138] =	vst.add.f32.msk $0xffff, v1  }
0xb8: {  	v1 =	vld [tilespmem:s25+$0x0];
	_ =	sdelay $0x4  }
0xb9: {  	[tilespmem:s0+$0x148] =	vst.add.f32.msk $0xffff, v1  }
0xba: {  	v1 =	vld [tilespmem:s25+$0x10];
	_ =	sdelay $0x4  }
0xbb: {  	[tilespmem:s0+$0x158] =	vst.add.f32.msk $0xffff, v1  }
0xbc: {  	v1 =	vld [tilespmem:s25+$0x20];
	_ =	sdelay $0x4  }
0xbd: {  	[tilespmem:s0+$0x168] =	vst.add.f32.msk $0xffff, v1  }
0xbe: {  	v1 =	vld [tilespmem:s25+$0x30];
	_ =	sdelay $0x4  }
0xbf: {  	[tilespmem:s0+$0x178] =	vst.add.f32.msk $0xffff, v1  }
.LBB2_17:
0xc0: {  	s26 =	sadd.s32 $0x1, s26  }
0xc1: {  	p1 =	seq.s32 s26, $0x0  }
.Ltmp11:
0xc2: {  	_ = 	snop;
	(pc) =	sbr.rel @p1 .LBB2_18-.Ltmp11, $2  }
0xc3: {  	_ =	sdelay $0x2  }
0xc4: {  	s23 =	sadd.s32 $0x1, s23;
	s25 =	sadd.s32 $0x80, s25;
	s29 =	smov.u32 s30  }
.LBB2_12:
0xc5: {  	v1 =	vld.msk [tilespmem:s23+$0x0], $0x1;
	_ =	sdelay $0x4  }
0xc6: {  	(v2sf) =	vpush v1, $0x0;
	_ =	sdelay $0xe  }
0xc7: {  	s30 =	spop (v2sf)  }
0xc8: {  	p1 =	sne.s32 s29, s30  }
.Ltmp12:
0xc9: {  	_ = 	snop;
	(pc) =	sbr.rel @!p1 .LBB2_13-.Ltmp12, $2  }
0xca: {  	_ =	sdelay $0x2  }
0xcb: {  	s0 =	sshll.u32 s22, $0x9  }
0xcc: {  	p1 =	seq.s32 s29, s24  }
.Ltmp13:
0xcd: {  	_ = 	snop;
	(pc) =	sbr.rel @!p1 .LBB2_15-.Ltmp13, $1  }
0xce: {  	_ =	sdelay $0x3  }
0xcf: {  	s0 =	sshra.s32 s0, $0x2  }
.Ltmp14:
0xd0: {  	s0 =	sadd.s32 $0x108, s0;
	(pc) =	sbr.rel .LBB2_16-.Ltmp14, $4  }
0xd1: {  	[spmem:s16] =	stream.linear.scatter [tilespmem:s0], [sflag:$0x1], $0x80, $0x38;
	[tilespmem:$0x1F6F8] =	vst v63  }
0xd2: {  	_ =	swait.ge [sflag:s12], $0x80  }
0xd3: {  	[sflag:s12] =	ssyncset.done $0x0  }
0xd4: {  	[sflag:s12] =	ssyncadd.s32 $0xFFFFFF80  }
.LBB2_15:
0xd5: {  	s2 =	sshll.u32 s28, $0x9  }
0xd6: {  	s2 =	sshra.s32 s2, $0x2  }
0xd7: {  	v1 =	vld [tilespmem:s2+$0x7988];
	_ =	sdelay $0x3  }
0xd8: {  	s0 =	sshra.s32 s0, $0x2  }
0xd9: {  	[tilespmem:s0+$0x108] =	vst.add.f32.msk $0xffff, v1  }
0xda: {  	v1 =	vld [tilespmem:s2+$0x7998];
	_ =	sdelay $0x4  }
0xdb: {  	[tilespmem:s0+$0x118] =	vst.add.f32.msk $0xffff, v1  }
0xdc: {  	v1 =	vld [tilespmem:s2+$0x79A8];
	_ =	sdelay $0x4  }
0xdd: {  	[tilespmem:s0+$0x128] =	vst.add.f32.msk $0xffff, v1  }
0xde: {  	v1 =	vld [tilespmem:s2+$0x79B8];
	_ =	sdelay $0x4  }
0xdf: {  	[tilespmem:s0+$0x138] =	vst.add.f32.msk $0xffff, v1  }
0xe0: {  	v1 =	vld [tilespmem:s2+$0x79C8];
	_ =	sdelay $0x4  }
0xe1: {  	[tilespmem:s0+$0x148] =	vst.add.f32.msk $0xffff, v1  }
0xe2: {  	v1 =	vld [tilespmem:s2+$0x79D8];
	_ =	sdelay $0x4  }
0xe3: {  	[tilespmem:s0+$0x158] =	vst.add.f32.msk $0xffff, v1  }
0xe4: {  	v1 =	vld [tilespmem:s2+$0x79E8];
	_ =	sdelay $0x4  }
0xe5: {  	[tilespmem:s0+$0x168] =	vst.add.f32.msk $0xffff, v1  }
0xe6: {  	v1 =	vld [tilespmem:s2+$0x79F8];
	_ =	sdelay $0x2  }
0xe7: {  	p1 =	sgt.u32 s29, $0x277F0  }
0xe8: {  	s2 =	sand.u32 @!p1 $0x3FFF8, s29  }
0xe9: {  	s3 =	sadd.s32 $0x108, s0;
	[tilespmem:s0+$0x178] =	vst.add.f32.msk $0xffff, v1;
	s0 =	sadd.s32 @!p1 s1, s2;
	s2 =	sand.u32 @!p1 $0x7, s29  }
0xea: {  	[hbm4b:s0+s2] =	stream.linear.scatter @!p1 [tilespmem:s3], [sflag:$0xC], $0x80, $0x38;
	[tilespmem:$0x1F6F8] =	vst v63  }
0xeb: {  	s0 =	simm.s32 $0x0  }
0xec: {  	s0 =	simm.s32 @!p1 $0x200  }
0xed: {  	s31 =	sadd.s32 s0, s31  }
.LBB2_16:
0xee: {  	s0 =	sadd.s32 $0x1, s22  }
0xef: {  	s2 =	smulhi.u32 $0x88888889, s0;
	_ =	sdelay $0x1  }
0xf0: {  	v1 =	vld [tilespmem:s25+$0xFFFFFFC0];
	s2 =	sshrl.u32 s2, $0x7  }
0xf1: {  	s2 =	smul.u32 $0xF0, s2;
	_ =	sdelay $0x1  }
0xf2: {  	s22 =	ssub.s32 s0, s2  }
0xf3: {  	s0 =	sshll.u32 s22, $0x7  }
0xf4: {  	[tilespmem:s0+$0x108] =	vst v1  }
0xf5: {  	v1 =	vld [tilespmem:s25+$0xFFFFFFD0];
	_ =	sdelay $0x4  }
0xf6: {  	[tilespmem:s0+$0x118] =	vst v1  }
0xf7: {  	v1 =	vld [tilespmem:s25+$0xFFFFFFE0];
	_ =	sdelay $0x4  }
0xf8: {  	[tilespmem:s0+$0x128] =	vst v1  }
0xf9: {  	v1 =	vld [tilespmem:s25+$0xFFFFFFF0];
	_ =	sdelay $0x4  }
0xfa: {  	[tilespmem:s0+$0x138] =	vst v1  }
0xfb: {  	v1 =	vld [tilespmem:s25+$0x0];
	_ =	sdelay $0x4  }
0xfc: {  	[tilespmem:s0+$0x148] =	vst v1  }
0xfd: {  	v1 =	vld [tilespmem:s25+$0x10];
	_ =	sdelay $0x4  }
0xfe: {  	[tilespmem:s0+$0x158] =	vst v1  }
0xff: {  	v1 =	vld [tilespmem:s25+$0x20];
	_ =	sdelay $0x4  }
0x100: {  	[tilespmem:s0+$0x168] =	vst v1  }
0x101: {  	v1 =	vld [tilespmem:s25+$0x30]  }
.Ltmp15:
0x102: {  	_ = 	snop;
	(pc) =	sbr.rel .LBB2_17-.Ltmp15, $2  }
0x103: {  	_ =	sdelay $0x2  }
0x104: {  	s28 =	sadd.s32 $0x1, s28;
	[tilespmem:s0+$0x178] =	vst v1  }
.LBB2_19:
.Ltmp16:
0x105: {  	(pc) =	sbr.rel .LBB2_20-.Ltmp16, $4  }
0x106: {  	_ = 	snop  }
0x107: {  	s0 =	simm.s32 $0x2  }
0x108: {  	_ =	swait.ge [sflag:s0], $0x0  }
0x109: {  	s30 =	smov.u32 s29;
	[sflag:s0] =	ssyncset.done $0x0;
	s0 =	simm.s32 $0x0  }
.LBB2_22:
0x10a: {  	_ =	sfence.sel $0x180000  }
0x10b: {  	s0 =	simm.s32 $0x9;
	[bflag:$0x0] =	sbarrier.arrive $0xFFFF  }
0x10c: {  	s24 =	simm.s32 $0xA;
	[sflag:s0] =	ssyncpa.u1 $0x1  }
0x10d: {  	s25 =	simm.s32 $0xB;
	[sflag:s24] =	ssyncpa.u1 $0x1  }
0x10e: {  	s26 =	simm.s32 $0x2;
	[sflag:s25] =	ssyncpa.u1 $0x1  }
0x10f: {  	[sflag:s26] =	ssyncpa.u1 $0x1  }
0x110: {  	v0 =	vld [tilespmem:$0xF208];
	_ =	sdelay $0x4  }
0x111: {  	(v2sf) =	vpush v0, $0x0  }
0x112: {  	(v2sf) =	vpush v0, $0x1;
	_ =	sdelay $0x1  }
0x113: {  	(v2sf) =	vpush v0, $0x2;
	_ =	sdelay $0xb  }
0x114: {  	s0 =	spop (v2sf)  }
0x115: {  	s2 =	spop (v2sf)  }
0x116: {  	s3 =	smov.u32 s0;
	p0 =	sne.s32 s0, s2  }
0x117: {  	s4 =	spop (v2sf);
	s3 =	simm.s32 @!p0 $0xFFFFFFFF  }
0x118: {  	v2 =	vimm.s32 $0x1;
	v3 =	vlaneseq.u32;
	p0 =	seq.s32 s4, $0xFFFFFFFF;
	v1 =	vmov s3  }
0x119: {  	s16 =	stileid.u32;
	v0 =	vperm.xlane v0, v2;
	p1 =	sne.s32 @!p0 s0, s2;
	v1 =	vperm.xlane v1, v3  }
0x11a: {  	vm0 =	vcmask $0x3F04;
	s6 =	simm.s32 $0xF208;
	s0 =	simm.s32 @!p0 $0x1;
	p1 =	por !p1, p0  }
0x11b: {  	s3 =	sshll.u32 s16, $0x1;
	s2 =	sshll.u32 @!p0 s4, $0x9;
	s0 =	simm.s32 @p1 $0x0;
	v0 =	vsel vm0, v1, v0  }
0x11c: {  	s5 =	sor.u32 $0x1000, s3;
	s2 =	sshra.s32 @!p0 s2, $0x2;
	s0 =	sor.u32 @!p0 s0, s3;
	[tilespmem:$0xF208] =	vst v0  }
0x11d: {  	[spmem:s5] =	stream.linear.scatter [tilespmem:s6], [sflag:$0x1], $0x2, $0x38;
	[tilespmem:$0x1F6F8] =	vst v63  }
0x11e: {  	s2 =	sadd.s32 @!p0 $0x108, s2;
	s0 =	sshll.u32 @!p0 s0, $0x7  }
0x11f: {  	[spmem:s0] =	stream.linear.scatter @!p0 [tilespmem:s2], [sflag:$0x1], $0x80, $0x38;
	[tilespmem:$0x1F6F8] =	vst v63  }
0x120: {  	s0 =	simm.s32 @!p0 $0x82  }
0x121: {  	s28 =	simm.s32 $0x1;
	s0 =	simm.s32 @p0 $0x2  }
0x122: {  	_ =	swait.ge [sflag:s28], s0  }
0x123: {  	s0 =	ssub.s32 $0x0, s0;
	[sflag:s28] =	ssyncset.done $0x0  }
0x124: {  	p0 =	sne.s32 s16, $0x0;
	[sflag:s28] =	ssyncadd.s32 s0  }
.Ltmp17:
0x125: {  	_ =	sfence.stream.spmem;
	(pc) =	sbr.rel @p0 .LBB2_39-.Ltmp17, $4  }
0x126: {  	s29 =	simm.s32 $0x3;
	[bflag:$0x0] =	sbarrier.arrive $0xFFFF  }
0x127: {  	s30 =	simm.s32 $0x4;
	[sflag:s29] =	ssyncpa.u1 $0x1  }
0x128: {  	s31 =	simm.s32 $0x3C;
	[sflag:s30] =	ssyncpa.u1 $0x1  }
0x129: {  	s15 =	rddreg [dreg:$0x5];
	[sflag:s31] =	ssyncpa.u1 $0x1  }
0x12a: {  	_ =	sfence.stream.spmem;
	s0 =	simm.s32 $0x5  }
0x12b: {  	s2 =	simm.s32 $0x1000;
	s3 =	simm.s32 $0xF218;
	[sflag:s0] =	ssyncpa.u1 $0x0  }
0x12c: {  	[tilespmem:s3], [sflag:$0x5] =	stream.linear.gather [spmem:s2], $0x20, $0x38;
	[tilespmem:$0x1F6F8] =	vst v63  }
0x12d: {  	s26 =	simm.s32 $0x0;
	s28 =	simm.s32 $0xF238  }
0x12e: {  	[tilespmem:s28], [sflag:$0x5] =	stream.linear.gather [spmem:s26], $0x1000, $0x38;
	[tilespmem:$0x1F6F8] =	vst v63  }
0x12f: {  	_ =	swait.ge [sflag:s0], $0x1020  }
0x130: {  	[sflag:s0] =	ssyncset.done $0x0  }
0x131: {  	s29 =	simm.s32 $0x0;
	[sflag:s0] =	ssyncadd.s32 $0xFFFFEFE0  }
0x132: {  	v0 =	vld.msk [tilespmem:s29+$0xF218], $0x1;
	_ =	sdelay $0x1  }
0x133: {  	s30 =	simm.s32 $0x1  }
0x134: {  	v1 =	vld.msk [tilespmem:s30+$0xF218], $0x1;
	_ =	sdelay $0x1  }
0x135: {  	(v2sf) =	vpush v0, $0x0;
	_ =	sdelay $0x2  }
0x136: {  	(v2sf) =	vpush v1, $0x0;
	_ =	sdelay $0x2  }
0x137: {  	s31 =	simm.s32 $0x2  }
0x138: {  	v0 =	vld.msk [tilespmem:s31+$0xF218], $0x1;
	_ =	sdelay $0x2  }
0x139: {  	s4 =	simm.s32 $0xFFFFFFFF;
	s5 =	simm.s32 $0xFFFFFFFF;
	s0 =	simm.s32 $0xC  }
.LBB2_24:
0x13a: {  	s2 =	smov.u32 s5;
	s3 =	smov.u32 s4  }
0x13b: {  	s4 =	sshra.s32 s0, $0x2;
	p1 =	sne.s32 s0, $0x7C;
	s0 =	sadd.s32 $0x4, s0;
	(v2sf) =	vpush v0, $0x0  }
0x13c: {  	v0 =	vld.msk [tilespmem:s4+$0xF218], $0x1  }
.Ltmp18:
0x13d: {  	(pc) =	sbr.rel @p1 .LBB2_24-.Ltmp18, $4  }
0x13e: {  	s5 =	spop (v2sf)  }
0x13f: {  	p2 =	sne.s32 s3, $0xFFFFFFFF;
	s4 =	smov.u32 s5  }
0x140: {  	p3 =	seq.s32 s5, $0xFFFFFFFF;
	s4 =	smov.u32 @p2 s3  }
0x141: {  	s5 =	smov.u32 @p3 s2;
	s4 =	smov.u32 @p3 s3  }
0x142: {  	(v2sf) =	vpush v0, $0x0;
	_ =	sdelay $0x8  }
0x143: {  	s0 =	spop (v2sf)  }
0x144: {  	p1 =	sne.s32 s4, $0xFFFFFFFF;
	s2 =	smov.u32 s0  }
0x145: {  	s9 =	simm.s32 $0x6;
	p2 =	seq.s32 s0, $0xFFFFFFFF;
	s2 =	smov.u32 @p1 s4  }
0x146: {  	s6 =	simm.s32 $0x0;
	s2 =	smov.u32 @p2 s4;
	s3 =	spop (v2sf)  }
0x147: {  	s0 =	smov.u32 @p2 s5;
	p1 =	sne.s32 s2, $0xFFFFFFFF;
	s4 =	smov.u32 s3  }
.Ltmp19:
0x148: {  	p2 =	seq.s32 s3, $0xFFFFFFFF;
	s4 =	smov.u32 @p1 s2;
	(pc) =	sbr.rel .LBB2_26-.Ltmp19, $4  }
0x149: {  	s10 =	simm.s32 $0xF188;
	s4 =	smov.u32 @p2 s2;
	s7 =	spop (v2sf)  }
0x14a: {  	s11 =	simm.s32 $0x0;
	p1 =	sne.s32 s4, $0xFFFFFFFF;
	s8 =	smov.u32 s7  }
0x14b: {  	s3 =	smov.u32 @p2 s0;
	p2 =	seq.s32 s7, $0xFFFFFFFF;
	s8 =	smov.u32 @p1 s4  }
0x14c: {  	[sflag:s9] =	ssyncpa.u1 $0x0;
	s7 =	smov.u32 @p2 s3;
	s8 =	smov.u32 @p2 s4  }
.LBB2_32:
0x14d: {  	p1 =	sgt.u32 s12, $0x277F0  }
0x14e: {  	p2 =	seq.s32 @!p1 s12, s8  }
0x14f: {  	p1 =	por p1, p2  }
0x150: {  	p2 =	sne.s32 @!p1 s12, s7  }
0x151: {  	p1 =	por p1, !p2  }
0x152: {  	s0 =	sshll.u32 @p1 s11, $0x9  }
0x153: {  	s0 =	sand.u32 @!p1 $0x3FFF8, s12  }
0x154: {  	s2 =	sand.u32 @!p1 $0x7, s12;
	s0 =	sadd.s32 @!p1 s1, s0  }
0x155: {  	[tilespmem:s10], [sflag:$0x6] =	stream.linear.gather @!p1 [hbm4b:s0+s2], $0x80, $0x38;
	[tilespmem:$0x1F6F8] =	vst v63  }
0x156: {  	_ =	swait.ge @!p1 [sflag:s9], $0x80  }
0x157: {  	[sflag:s9] =	ssyncset.done @!p1 $0x0  }
0x158: {  	[sflag:s9] =	ssyncadd.s32 @!p1 $0xFFFFFF80  }
0x159: {  	v1 =	vld @!p1 [tilespmem:$0xF188];
	_ =	sdelay $0x2  }
0x15a: {  	s0 =	sshll.u32 @!p1 s11, $0x9  }
0x15b: {  	s2 =	sshrl.u32 @!p1 s0, $0x2  }
0x15c: {  	[tilespmem:s2+$0xF238] =	vst.add.f32.msk @!p1 $0xffff, v1  }
0x15d: {  	v1 =	vld @!p1 [tilespmem:$0xF198];
	_ =	sdelay $0x4  }
0x15e: {  	[tilespmem:s2+$0xF248] =	vst.add.f32.msk @!p1 $0xffff, v1  }
0x15f: {  	v1 =	vld @!p1 [tilespmem:$0xF1A8];
	_ =	sdelay $0x4  }
0x160: {  	[tilespmem:s2+$0xF258] =	vst.add.f32.msk @!p1 $0xffff, v1  }
0x161: {  	v1 =	vld @!p1 [tilespmem:$0xF1B8];
	_ =	sdelay $0x4  }
0x162: {  	[tilespmem:s2+$0xF268] =	vst.add.f32.msk @!p1 $0xffff, v1  }
0x163: {  	v1 =	vld @!p1 [tilespmem:$0xF1C8];
	_ =	sdelay $0x4  }
0x164: {  	[tilespmem:s2+$0xF278] =	vst.add.f32.msk @!p1 $0xffff, v1  }
0x165: {  	v1 =	vld @!p1 [tilespmem:$0xF1D8];
	_ =	sdelay $0x4  }
0x166: {  	[tilespmem:s2+$0xF288] =	vst.add.f32.msk @!p1 $0xffff, v1  }
0x167: {  	v1 =	vld @!p1 [tilespmem:$0xF1E8];
	_ =	sdelay $0x4  }
0x168: {  	[tilespmem:s2+$0xF298] =	vst.add.f32.msk @!p1 $0xffff, v1  }
0x169: {  	v1 =	vld @!p1 [tilespmem:$0xF1F8];
	_ =	sdelay $0x4  }
0x16a: {  	[tilespmem:s2+$0xF2A8] =	vst.add.f32.msk @!p1 $0xffff, v1  }
0x16b: {  	s0 =	sshrl.u32 s0, $0x2;
	[tilespmem:s6+$0xF218] =	vst.msk $0x1, v0  }
0x16c: {  	v0 =	vld [tilespmem:s0+$0xF238];
	_ =	sdelay $0x2  }
0x16d: {  	s31 =	sshll.u32 s6, $0x9  }
0x16e: {  	s2 =	sshra.s32 s31, $0x2  }
0x16f: {  	[tilespmem:s2+$0xF238] =	vst v0  }
0x170: {  	v0 =	vld [tilespmem:s0+$0xF248];
	_ =	sdelay $0x4  }
0x171: {  	[tilespmem:s2+$0xF248] =	vst v0  }
0x172: {  	v0 =	vld [tilespmem:s0+$0xF258];
	_ =	sdelay $0x4  }
0x173: {  	[tilespmem:s2+$0xF258] =	vst v0  }
0x174: {  	v0 =	vld [tilespmem:s0+$0xF268];
	_ =	sdelay $0x4  }
0x175: {  	[tilespmem:s2+$0xF268] =	vst v0  }
0x176: {  	v0 =	vld [tilespmem:s0+$0xF278];
	_ =	sdelay $0x4  }
0x177: {  	[tilespmem:s2+$0xF278] =	vst v0  }
0x178: {  	v0 =	vld [tilespmem:s0+$0xF288];
	_ =	sdelay $0x4  }
0x179: {  	[tilespmem:s2+$0xF288] =	vst v0  }
0x17a: {  	v0 =	vld [tilespmem:s0+$0xF298];
	_ =	sdelay $0x4  }
0x17b: {  	[tilespmem:s2+$0xF298] =	vst v0  }
0x17c: {  	v0 =	vld [tilespmem:s0+$0xF2A8];
	_ =	sdelay $0x4  }
0x17d: {  	s6 =	sadd.s32 $0x1, s6;
	[tilespmem:s2+$0xF2A8] =	vst v0  }
.LBB2_33:
0x17e: {  	s11 =	sadd.s32 $0x1, s11  }
0x17f: {  	p1 =	sne.s32 s11, $0x20  }
.Ltmp20:
0x180: {  	_ = 	snop;
	(pc) =	sbr.rel @!p1 .LBB2_34-.Ltmp20, $1  }
0x181: {  	_ =	sdelay $0x3  }
.LBB2_26:
0x182: {  	v0 =	vld.msk [tilespmem:s11+$0xF218], $0x1;
	_ =	sdelay $0x4  }
0x183: {  	(v2sf) =	vpush v0, $0x0;
	_ =	sdelay $0xe  }
0x184: {  	s12 =	spop (v2sf)  }
0x185: {  	p1 =	seq.s32 s12, $0xFFFFFFFF  }
.Ltmp21:
0x186: {  	_ = 	snop;
	(pc) =	sbr.rel @p1 .LBB2_33-.Ltmp21, $1  }
0x187: {  	_ =	sdelay $0x3  }
0x188: {  	p1 =	slt.s32 s6, $0x1  }
.Ltmp22:
0x189: {  	_ = 	snop;
	(pc) =	sbr.rel @p1 .LBB2_32-.Ltmp22, $1  }
0x18a: {  	_ =	sdelay $0x3  }
0x18b: {  	s13 =	simm.s32 $0xF218;
	p1 =	por $0x0, $0x0  }
0x18c: {  	v1 =	vld.msk @!p1 [tilespmem:s13+$0x0], $0x1;
	_ =	sdelay $0x4  }
0x18d: {  	(v2sf) =	vpush @!p1 v1, $0x0;
	_ =	sdelay $0xd  }
0x18e: {  	p3 =	sne.s32 s6, $0x1  }
.Ltmp23:
0x18f: {  	s0 =	spop @!p1 (v2sf);
	(pc) =	sbr.rel @!p3 .LBB2_30-.Ltmp23, $4  }
0x190: {  	p2 =	seq.s32 @!p1 s12, s0  }
0x191: {  	s14 =	simm.s32 $0x0;
	p2 =	por !p2, p1  }
0x192: {  	s2 =	simm.s32 $0xFFFFFFFF;
	s14 =	simm.s32 @p2 $0xFFFFFFFF  }
0x193: {  	s0 =	simm.s32 $0x1;
	s14 =	smov.u32 @p1 s2  }
.LBB2_29:
0x194: {  	s2 =	smov.u32 s14;
	p1 =	sne.s32 s14, $0xFFFFFFFF  }
0x195: {  	s13 =	sadd.s32 $0x1, s13;
	s14 =	smov.u32 s0;
	s0 =	sadd.s32 $0x1, s0  }
0x196: {  	p2 =	sne.s32 s6, s0;
	v1 =	vld.msk @!p1 [tilespmem:s13+$0x0], $0x1;
	_ =	sdelay $0x4  }
0x197: {  	(v2sf) =	vpush @!p1 v1, $0x0;
	_ =	sdelay $0xe  }
.Ltmp24:
0x198: {  	s3 =	spop @!p1 (v2sf);
	(pc) =	sbr.rel @p2 .LBB2_29-.Ltmp24, $4  }
0x199: {  	p3 =	seq.s32 @!p1 s12, s3  }
0x19a: {  	p3 =	por !p3, p1  }
0x19b: {  	s14 =	simm.s32 @p3 $0xFFFFFFFF  }
0x19c: {  	s14 =	smov.u32 @p1 s2  }
.LBB2_30:
0x19d: {  	p1 =	seq.s32 s14, $0xFFFFFFFF  }
.Ltmp25:
0x19e: {  	_ = 	snop;
	(pc) =	sbr.rel @p1 .LBB2_32-.Ltmp25, $1  }
0x19f: {  	_ =	sdelay $0x3  }
0x1a0: {  	s0 =	sshll.u32 s11, $0x7  }
0x1a1: {  	s0 =	sand.u32 $0x3FFFFF80, s0  }
0x1a2: {  	v0 =	vld [tilespmem:s0+$0xF238];
	_ =	sdelay $0x2  }
0x1a3: {  	s2 =	sshll.u32 s14, $0x9  }
0x1a4: {  	s2 =	sshra.s32 s2, $0x2  }
0x1a5: {  	[tilespmem:s2+$0xF238] =	vst.add.f32.msk $0xffff, v0  }
0x1a6: {  	v0 =	vld [tilespmem:s0+$0xF248];
	_ =	sdelay $0x4  }
0x1a7: {  	[tilespmem:s2+$0xF248] =	vst.add.f32.msk $0xffff, v0  }
0x1a8: {  	v0 =	vld [tilespmem:s0+$0xF258];
	_ =	sdelay $0x4  }
0x1a9: {  	[tilespmem:s2+$0xF258] =	vst.add.f32.msk $0xffff, v0  }
0x1aa: {  	v0 =	vld [tilespmem:s0+$0xF268];
	_ =	sdelay $0x4  }
0x1ab: {  	[tilespmem:s2+$0xF268] =	vst.add.f32.msk $0xffff, v0  }
0x1ac: {  	v0 =	vld [tilespmem:s0+$0xF278];
	_ =	sdelay $0x4  }
0x1ad: {  	[tilespmem:s2+$0xF278] =	vst.add.f32.msk $0xffff, v0  }
0x1ae: {  	v0 =	vld [tilespmem:s0+$0xF288];
	_ =	sdelay $0x4  }
0x1af: {  	[tilespmem:s2+$0xF288] =	vst.add.f32.msk $0xffff, v0  }
0x1b0: {  	v0 =	vld [tilespmem:s0+$0xF298];
	_ =	sdelay $0x4  }
0x1b1: {  	[tilespmem:s2+$0xF298] =	vst.add.f32.msk $0xffff, v0  }
0x1b2: {  	v0 =	vld [tilespmem:s0+$0xF2A8]  }
.Ltmp26:
0x1b3: {  	_ = 	snop;
	(pc) =	sbr.rel .LBB2_33-.Ltmp26, $2  }
0x1b4: {  	_ =	sdelay $0x2  }
0x1b5: {  	[tilespmem:s2+$0xF2A8] =	vst.add.f32.msk $0xffff, v0  }
.LBB2_34:
0x1b6: {  	s0 =	simm.s32 $0x6;
	p1 =	seq.s32 s6, $0x0  }
0x1b7: {  	[sflag:s0] =	ssyncpa.u1 $0x1;
	v0 =	vimm.s32 @p1 $0xFFFFFFFF  }
0x1b8: {  	s9 =	sadd.s32 $0xFFFFFFFF, s6;
	[tilespmem:$0x10238] =	vst @p1 v0  }
0x1b9: {  	v0 =	vld.msk @!p1 [tilespmem:s9+$0xF218], $0x1;
	_ =	sdelay $0x1  }
0x1ba: {  	v1 =	vld.msk @!p1 [tilespmem:$0xF218], $0x1;
	_ =	sdelay $0x2  }
0x1bb: {  	p2 =	seq.s32 @!p1 s9, $0x0;
	v0 =	vbroadcast @!p1 v0, $0x0  }
0x1bc: {  	vm0 =	vmmov @!p1 $0x1;
	p2 =	por !p2, p1  }
0x1bd: {  	v1 =	vnsel @!p1 vm0, $0xFFFFFFFF, v1;
	vm0 =	vcmask @!p1 $0x308;
	v0 =	vpsel !p2, $0xFFFFFFFF, v0  }
0x1be: {  	p2 =	sne.s32 @!p1 s8, s7;
	v0 =	vsel @!p1 vm0, v1, v0  }
0x1bf: {  	s0 =	simm.s32 @!p1 $0xF238;
	s2 =	simm.s32 @!p1 $0x0;
	p3 =	por !p2, p1;
	[tilespmem:$0x10238] =	vst @!p1 v0  }
0x1c0: {  	[spmem:s2] =	stream.linear.scatter @!p1 [tilespmem:s0], [sflag:$0x1], $0x80, $0x38;
	[tilespmem:$0x1F6F8] =	vst v63  }
0x1c1: {  	s0 =	sshll.u32 @!p3 s9, $0x9  }
0x1c2: {  	s0 =	sshra.s32 @!p3 s0, $0x2  }
0x1c3: {  	s2 =	simm.s32 @!p3 $0x80;
	s0 =	sadd.s32 @!p3 $0xF238, s0  }
0x1c4: {  	[spmem:s2] =	stream.linear.scatter @!p3 [tilespmem:s0], [sflag:$0x1], $0x80, $0x38;
	[tilespmem:$0x1F6F8] =	vst v63  }
0x1c5: {  	s0 =	simm.s32 @!p3 $0x1  }
0x1c6: {  	_ =	swait.ge @!p3 [sflag:s0], $0x100  }
0x1c7: {  	p1 =	por p2, p1;
	[sflag:s0] =	ssyncset.done @!p3 $0x0  }
0x1c8: {  	[sflag:s0] =	ssyncadd.s32 @!p3 $0xFFFFFF00;
	s0 =	simm.s32 @!p1 $0x1  }
0x1c9: {  	_ =	swait.ge @!p1 [sflag:s0], $0x80  }
0x1ca: {  	s29 =	simm.s32 $0x10238;
	[sflag:s0] =	ssyncset.done @!p1 $0x0  }
0x1cb: {  	s30 =	simm.s32 $0x1000;
	s31 =	simm.s32 $0x1;
	[sflag:s0] =	ssyncadd.s32 @!p1 $0xFFFFFF80  }
0x1cc: {  	[spmem:s30] =	stream.linear.scatter [tilespmem:s29], [sflag:$0x1], $0x10, $0x38;
	[tilespmem:$0x1F6F8] =	vst v63  }
0x1cd: {  	_ =	swait.ge [sflag:s31], $0x10  }
0x1ce: {  	[sflag:s31] =	ssyncset.done $0x0  }
0x1cf: {  	p1 =	seq.s32 s15, $0x0;
	s8 =	rddreg [dreg:$0x2];
	[sflag:s31] =	ssyncadd.s32 $0xFFFFFFF0  }
0x1d0: {  	s2 =	sshll.u32 @p1 s8, $0xE;
	s7 =	rddreg [dreg:$0x3]  }
0x1d1: {  	s0 =	sadd.s32 @p1 $0x15C3C, s2;
	s2 =	sshll.u32 @p1 s7, $0x11  }
0x1d2: {  	_ =	sfence.stream.spmem;
	s0 =	sor.u32 @p1 s2, s0  }
0x1d3: {  	[sflag:s0] =	ssyncadd.remote.s32 @p1 $0x1;
	s0 =	simm.s32 @p1 $0x4  }
0x1d4: {  	s3 =	simm.s32 @!p1 $0x3C;
	s2 =	sand.u32 $0xFFFFFFFE, s8;
	_ =	swait.ge @p1 [sflag:s0], $0x22  }
0x1d5: {  	s4 =	simm.s32 @!p1 $0x0;
	s2 =	sadd.s32 @!p1 $0x4, s2;
	[sflag:s0] =	ssyncset.done @p1 $0x0  }
0x1d6: {  	s5 =	simm.s32 @!p1 $0x100;
	[sflag:s0] =	ssyncadd.s32 @p1 $0xFFFFFFDE;
	s0 =	sshll.u32 @!p1 s2, $0x1A  }
0x1d7: {  	s2 =	sshll.u32 @!p1 s2, $0xD;
	s0 =	sor.u32 @!p1 s0, s7;
	_ =	swait.eq @!p1 [sflag:s3], $0x1  }
0x1d8: {  	s2 =	sor.u32 @!p1 $0x1C04, s2;
	s3 =	simm.s32 @!p1 $0x1C03;
	s0 =	sor.u32 @!p1 $0x80004000, s0  }
0x1d9: {  	[spmem:s5], [sflag:s2] =	dma.general @!p1 [spmem:s4], [sflag:s3], length:$0x20, [dreg:$0x0], stride_count:$0x0, ici_dest:s0, dma_misc:DstOpCode:WRITE  }
0x1da: {  	p2 =	slt.s32 s9, $0x2;
	s4 =	simm.s32 @!p1 $0x200;
	s5 =	simm.s32 @!p1 $0x202  }
0x1db: {  	[spmem:s5], [sflag:s2] =	dma.general @!p1 [spmem:s4], [sflag:s3], length:$0x2, [dreg:$0x0], stride_count:$0x0, ici_dest:s0, dma_misc:DstOpCode:WRITE  }
.Ltmp27:
0x1dc: {  	s0 =	simm.s32 @!p1 $0x3;
	(pc) =	sbr.rel @p2 .LBB2_38-.Ltmp27, $4  }
0x1dd: {  	s2 =	sshll.u32 @!p1 s8, $0xE;
	_ =	swait.ge @!p1 [sflag:s0], $0x22  }
0x1de: {  	s3 =	sshll.u32 @!p1 s7, $0x11;
	s2 =	sadd.s32 @!p1 $0x11C3C, s2;
	[sflag:s0] =	ssyncset.done @!p1 $0x0  }
0x1df: {  	[sflag:s0] =	ssyncadd.s32 @!p1 $0xFFFFFFDE;
	s0 =	sor.u32 @!p1 s3, s2  }
0x1e0: {  	[sflag:s0] =	ssyncadd.remote.s32 @!p1 $0xFFFFFFFF;
	s0 =	simm.s32 $0x0  }
0x1e1: {  	s0 =	simm.s32 $0xF219  }
0x1e2: {  	v0 =	vld.msk [tilespmem:s0+$0x0], $0x1;
	_ =	sdelay $0x4  }
0x1e3: {  	(v2sf) =	vpush v0, $0x0;
	_ =	sdelay $0xb  }
0x1e4: {  	s31 =	sadd.s32 $0xFFFFFFFE, s6  }
0x1e5: {  	s0 =	sadd.s32 $0xFFFFFFFF, s31  }
0x1e6: {  	p2 =	sne.s32 s0, $0x0  }
.Ltmp28:
0x1e7: {  	s2 =	spop (v2sf);
	(pc) =	sbr.rel @!p2 .LBB2_37-.Ltmp28, $4  }
0x1e8: {  	s4 =	simm.s32 $0xF2B8;
	s7 =	simm.s32 $0x0;
	p1 =	sgt.u32 s2, $0x277F0  }
0x1e9: {  	s5 =	simm.s32 $0x0;
	s6 =	simm.s32 $0xF21A;
	s3 =	sand.u32 @!p1 $0x3FFF8, s2  }
0x1ea: {  	s2 =	sand.u32 @!p1 $0x7, s2;
	s7 =	simm.s32 @!p1 $0x200;
	s3 =	sadd.s32 @!p1 s1, s3  }
0x1eb: {  	[hbm4b:s3+s2] =	stream.linear.scatter @!p1 [tilespmem:s4], [sflag:$0x5], $0x80, $0x38;
	[tilespmem:$0x1F6F8] =	vst v63  }
.LBB2_36:
0x1ec: {  	v0 =	vld.msk [tilespmem:s6+$0x0], $0x1;
	s0 =	sadd.s32 $0xFFFFFFFF, s0;
	s5 =	sadd.s32 s5, s7  }
0x1ed: {  	p1 =	sne.s32 s0, $0x0;
	_ =	sdelay $0x3  }
0x1ee: {  	(v2sf) =	vpush v0, $0x0;
	_ =	sdelay $0xe  }
.Ltmp29:
0x1ef: {  	s2 =	spop (v2sf);
	(pc) =	sbr.rel @p1 .LBB2_36-.Ltmp29, $4  }
0x1f0: {  	s7 =	simm.s32 $0x0;
	p2 =	sgt.u32 s2, $0x277F0  }
0x1f1: {  	s4 =	sadd.s32 $0x80, s4;
	s7 =	simm.s32 @!p2 $0x200;
	s3 =	sand.u32 @!p2 $0x3FFF8, s2  }
0x1f2: {  	s6 =	sadd.s32 $0x1, s6;
	s2 =	sand.u32 @!p2 $0x7, s2;
	s3 =	sadd.s32 @!p2 s1, s3  }
0x1f3: {  	[hbm4b:s3+s2] =	stream.linear.scatter @!p2 [tilespmem:s4], [sflag:$0x5], $0x80, $0x38;
	[tilespmem:$0x1F6F8] =	vst v63  }
.LBB2_37:
0x1f4: {  	s0 =	sadd.s32 s5, s7  }
0x1f5: {  	s0 =	sshrl.u32 s0, $0x2  }
.LBB2_38:
0x1f6: {  	s2 =	simm.s32 $0x5  }
0x1f7: {  	_ =	swait.ge [sflag:s2], s0  }
0x1f8: {  	s31 =	ssub.s32 $0x0, s0;
	[sflag:s2] =	ssyncset.done $0x0  }
0x1f9: {  	[sflag:s2] =	ssyncadd.s32 s31  }
0x1fa: {  	[sflag:s2] =	ssyncpa.u1 $0x1  }
.LBB2_39:
0x1fb: {  	s0 =	sor.u32 s15, s16  }
0x1fc: {  	p1 =	sne.s32 s0, $0x0  }
.Ltmp30:
0x1fd: {  	_ = 	snop;
	(pc) =	sbr.rel @p1 .LBB2_54-.Ltmp30, $3  }
0x1fe: {  	_ =	sdelay $0x1  }
0x1ff: {  	[bflag:$0x0] =	sbarrier.arrive $0xFFFF  }
0x200: {  	_ =	sfence  }
0x201: {  	s0 =	simm.s32 $0x7  }
0x202: {  	s2 =	simm.s32 $0x1000;
	s3 =	simm.s32 $0xF218;
	[sflag:s0] =	ssyncpa.u1 $0x0  }
0x203: {  	[tilespmem:s3], [sflag:$0x7] =	stream.linear.gather [spmem:s2], $0x20, $0x38;
	[tilespmem:$0x1F6F8] =	vst v63  }
0x204: {  	s30 =	simm.s32 $0xF238;
	s2 =	simm.s32 $0x0  }
0x205: {  	[tilespmem:s30], [sflag:$0x7] =	stream.linear.gather [spmem:s2], $0x1000, $0x38;
	[tilespmem:$0x1F6F8] =	vst v63  }
.Ltmp31:
0x206: {  	_ = 	snop;
	(pc) =	sbr.rel .LBB2_41-.Ltmp31, $4  }
0x207: {  	_ =	swait.ge [sflag:s0], $0x1020  }
0x208: {  	[sflag:s0] =	ssyncset.done $0x0  }
0x209: {  	s31 =	simm.s32 $0x8;
	[sflag:s0] =	ssyncadd.s32 $0xFFFFEFE0  }
0x20a: {  	s3 =	simm.s32 $0x0;
	[sflag:s31] =	ssyncpa.u1 $0x0  }
.LBB2_47:
0x20b: {  	p1 =	slt.u32 s4, $0x277F1  }
0x20c: {  	s0 =	sand.u32 @p1 $0x3FFF8, s4  }
0x20d: {  	s4 =	sand.u32 @p1 $0x7, s4;
	s5 =	simm.s32 @p1 $0xF188;
	s0 =	sadd.s32 @p1 s1, s0  }
0x20e: {  	[tilespmem:s5], [sflag:$0x8] =	stream.linear.gather @p1 [hbm4b:s0+s4], $0x80, $0x38;
	[tilespmem:$0x1F6F8] =	vst v63  }
0x20f: {  	s0 =	simm.s32 @p1 $0x8  }
0x210: {  	_ =	swait.ge @p1 [sflag:s0], $0x80  }
0x211: {  	[sflag:s0] =	ssyncset.done @p1 $0x0  }
0x212: {  	[sflag:s0] =	ssyncadd.s32 @p1 $0xFFFFFF80  }
0x213: {  	v1 =	vld @p1 [tilespmem:$0xF188];
	_ =	sdelay $0x2  }
0x214: {  	s0 =	sshll.u32 @p1 s3, $0x9  }
0x215: {  	s4 =	sshrl.u32 @p1 s0, $0x2  }
0x216: {  	[tilespmem:s4+$0xF238] =	vst.add.f32.msk @p1 $0xffff, v1  }
0x217: {  	v1 =	vld @p1 [tilespmem:$0xF198];
	_ =	sdelay $0x4  }
0x218: {  	[tilespmem:s4+$0xF248] =	vst.add.f32.msk @p1 $0xffff, v1  }
0x219: {  	v1 =	vld @p1 [tilespmem:$0xF1A8];
	_ =	sdelay $0x4  }
0x21a: {  	[tilespmem:s4+$0xF258] =	vst.add.f32.msk @p1 $0xffff, v1  }
0x21b: {  	v1 =	vld @p1 [tilespmem:$0xF1B8];
	_ =	sdelay $0x4  }
0x21c: {  	[tilespmem:s4+$0xF268] =	vst.add.f32.msk @p1 $0xffff, v1  }
0x21d: {  	v1 =	vld @p1 [tilespmem:$0xF1C8];
	_ =	sdelay $0x4  }
0x21e: {  	[tilespmem:s4+$0xF278] =	vst.add.f32.msk @p1 $0xffff, v1  }
0x21f: {  	v1 =	vld @p1 [tilespmem:$0xF1D8];
	_ =	sdelay $0x4  }
0x220: {  	[tilespmem:s4+$0xF288] =	vst.add.f32.msk @p1 $0xffff, v1  }
0x221: {  	v1 =	vld @p1 [tilespmem:$0xF1E8];
	_ =	sdelay $0x4  }
0x222: {  	[tilespmem:s4+$0xF298] =	vst.add.f32.msk @p1 $0xffff, v1  }
0x223: {  	v1 =	vld @p1 [tilespmem:$0xF1F8];
	_ =	sdelay $0x3  }
0x224: {  	s5 =	sshll.u32 @!p1 s3, $0x9  }
0x225: {  	s5 =	smov.u32 @p1 s0;
	[tilespmem:s4+$0xF2A8] =	vst.add.f32.msk @p1 $0xffff, v1  }
0x226: {  	s0 =	sshrl.u32 s5, $0x2;
	[tilespmem:s2+$0xF218] =	vst.msk $0x1, v0  }
0x227: {  	v0 =	vld [tilespmem:s0+$0xF238];
	_ =	sdelay $0x2  }
0x228: {  	s31 =	sshll.u32 s2, $0x9  }
0x229: {  	s4 =	sshra.s32 s31, $0x2  }
0x22a: {  	[tilespmem:s4+$0xF238] =	vst v0  }
0x22b: {  	v0 =	vld [tilespmem:s0+$0xF248];
	_ =	sdelay $0x4  }
0x22c: {  	[tilespmem:s4+$0xF248] =	vst v0  }
0x22d: {  	v0 =	vld [tilespmem:s0+$0xF258];
	_ =	sdelay $0x4  }
0x22e: {  	[tilespmem:s4+$0xF258] =	vst v0  }
0x22f: {  	v0 =	vld [tilespmem:s0+$0xF268];
	_ =	sdelay $0x4  }
0x230: {  	[tilespmem:s4+$0xF268] =	vst v0  }
0x231: {  	v0 =	vld [tilespmem:s0+$0xF278];
	_ =	sdelay $0x4  }
0x232: {  	[tilespmem:s4+$0xF278] =	vst v0  }
0x233: {  	v0 =	vld [tilespmem:s0+$0xF288];
	_ =	sdelay $0x4  }
0x234: {  	[tilespmem:s4+$0xF288] =	vst v0  }
0x235: {  	v0 =	vld [tilespmem:s0+$0xF298];
	_ =	sdelay $0x4  }
0x236: {  	[tilespmem:s4+$0xF298] =	vst v0  }
0x237: {  	v0 =	vld [tilespmem:s0+$0xF2A8];
	_ =	sdelay $0x4  }
0x238: {  	s2 =	sadd.s32 $0x1, s2;
	[tilespmem:s4+$0xF2A8] =	vst v0  }
.LBB2_48:
0x239: {  	s3 =	sadd.s32 $0x1, s3  }
0x23a: {  	p1 =	sne.s32 s3, $0x20  }
.Ltmp32:
0x23b: {  	_ = 	snop;
	(pc) =	sbr.rel @!p1 .LBB2_49-.Ltmp32, $1  }
0x23c: {  	_ =	sdelay $0x3  }
.LBB2_41:
0x23d: {  	v0 =	vld.msk [tilespmem:s3+$0xF218], $0x1;
	_ =	sdelay $0x4  }
0x23e: {  	(v2sf) =	vpush v0, $0x0;
	_ =	sdelay $0xe  }
0x23f: {  	s4 =	spop (v2sf)  }
0x240: {  	p1 =	seq.s32 s4, $0xFFFFFFFF  }
.Ltmp33:
0x241: {  	_ = 	snop;
	(pc) =	sbr.rel @p1 .LBB2_48-.Ltmp33, $1  }
0x242: {  	_ =	sdelay $0x3  }
0x243: {  	p1 =	slt.s32 s2, $0x1  }
.Ltmp34:
0x244: {  	_ = 	snop;
	(pc) =	sbr.rel @p1 .LBB2_47-.Ltmp34, $1  }
0x245: {  	_ =	sdelay $0x3  }
0x246: {  	s5 =	simm.s32 $0xF218;
	p1 =	por $0x0, $0x0  }
0x247: {  	v1 =	vld.msk @!p1 [tilespmem:s5+$0x0], $0x1;
	_ =	sdelay $0x4  }
0x248: {  	(v2sf) =	vpush @!p1 v1, $0x0;
	_ =	sdelay $0xd  }
0x249: {  	p3 =	sne.s32 s2, $0x1  }
.Ltmp35:
0x24a: {  	s0 =	spop @!p1 (v2sf);
	(pc) =	sbr.rel @!p3 .LBB2_45-.Ltmp35, $4  }
0x24b: {  	p2 =	seq.s32 @!p1 s4, s0  }
0x24c: {  	s6 =	simm.s32 $0x0;
	p2 =	por !p2, p1  }
0x24d: {  	s7 =	simm.s32 $0xFFFFFFFF;
	s6 =	simm.s32 @p2 $0xFFFFFFFF  }
0x24e: {  	s0 =	simm.s32 $0x1;
	s6 =	smov.u32 @p1 s7  }
.LBB2_44:
0x24f: {  	s7 =	smov.u32 s6;
	p1 =	sne.s32 s6, $0xFFFFFFFF  }
0x250: {  	s5 =	sadd.s32 $0x1, s5;
	s6 =	smov.u32 s0;
	s0 =	sadd.s32 $0x1, s0  }
0x251: {  	p2 =	sne.s32 s2, s0;
	v1 =	vld.msk @!p1 [tilespmem:s5+$0x0], $0x1;
	_ =	sdelay $0x4  }
0x252: {  	(v2sf) =	vpush @!p1 v1, $0x0;
	_ =	sdelay $0xe  }
.Ltmp36:
0x253: {  	s8 =	spop @!p1 (v2sf);
	(pc) =	sbr.rel @p2 .LBB2_44-.Ltmp36, $4  }
0x254: {  	p3 =	seq.s32 @!p1 s4, s8  }
0x255: {  	p3 =	por !p3, p1  }
0x256: {  	s6 =	simm.s32 @p3 $0xFFFFFFFF  }
0x257: {  	s6 =	smov.u32 @p1 s7  }
.LBB2_45:
0x258: {  	p1 =	seq.s32 s6, $0xFFFFFFFF  }
.Ltmp37:
0x259: {  	_ = 	snop;
	(pc) =	sbr.rel @p1 .LBB2_47-.Ltmp37, $1  }
0x25a: {  	_ =	sdelay $0x3  }
0x25b: {  	s0 =	sshll.u32 s3, $0x7  }
0x25c: {  	s0 =	sand.u32 $0x3FFFFF80, s0  }
0x25d: {  	v0 =	vld [tilespmem:s0+$0xF238];
	_ =	sdelay $0x2  }
0x25e: {  	s4 =	sshll.u32 s6, $0x9  }
0x25f: {  	s4 =	sshra.s32 s4, $0x2  }
0x260: {  	[tilespmem:s4+$0xF238] =	vst.add.f32.msk $0xffff, v0  }
0x261: {  	v0 =	vld [tilespmem:s0+$0xF248];
	_ =	sdelay $0x4  }
0x262: {  	[tilespmem:s4+$0xF248] =	vst.add.f32.msk $0xffff, v0  }
0x263: {  	v0 =	vld [tilespmem:s0+$0xF258];
	_ =	sdelay $0x4  }
0x264: {  	[tilespmem:s4+$0xF258] =	vst.add.f32.msk $0xffff, v0  }
0x265: {  	v0 =	vld [tilespmem:s0+$0xF268];
	_ =	sdelay $0x4  }
0x266: {  	[tilespmem:s4+$0xF268] =	vst.add.f32.msk $0xffff, v0  }
0x267: {  	v0 =	vld [tilespmem:s0+$0xF278];
	_ =	sdelay $0x4  }
0x268: {  	[tilespmem:s4+$0xF278] =	vst.add.f32.msk $0xffff, v0  }
0x269: {  	v0 =	vld [tilespmem:s0+$0xF288];
	_ =	sdelay $0x4  }
0x26a: {  	[tilespmem:s4+$0xF288] =	vst.add.f32.msk $0xffff, v0  }
0x26b: {  	v0 =	vld [tilespmem:s0+$0xF298];
	_ =	sdelay $0x4  }
0x26c: {  	[tilespmem:s4+$0xF298] =	vst.add.f32.msk $0xffff, v0  }
0x26d: {  	v0 =	vld [tilespmem:s0+$0xF2A8]  }
.Ltmp38:
0x26e: {  	_ = 	snop;
	(pc) =	sbr.rel .LBB2_48-.Ltmp38, $2  }
0x26f: {  	_ =	sdelay $0x2  }
0x270: {  	[tilespmem:s4+$0xF2A8] =	vst.add.f32.msk $0xffff, v0  }
.LBB2_49:
0x271: {  	p1 =	slt.s32 s2, $0x1  }
.Ltmp39:
0x272: {  	_ = 	snop;
	(pc) =	sbr.rel @p1 .LBB2_53-.Ltmp39, $3  }
0x273: {  	_ =	sdelay $0x1  }
0x274: {  	s0 =	simm.s32 $0x8  }
0x275: {  	s3 =	simm.s32 $0x0;
	[sflag:s0] =	ssyncpa.u1 $0x1  }
0x276: {  	s0 =	simm.s32 $0xF218  }
0x277: {  	v0 =	vld.msk [tilespmem:s0+$0x0], $0x1;
	_ =	sdelay $0x4  }
0x278: {  	(v2sf) =	vpush v0, $0x0;
	_ =	sdelay $0xe  }
0x279: {  	s0 =	sadd.s32 $0xFFFFFFFF, s2;
	s5 =	spop (v2sf)  }
0x27a: {  	p2 =	sne.s32 s0, $0x0;
	p1 =	sgt.u32 s5, $0x277F0  }
.Ltmp40:
0x27b: {  	s6 =	sand.u32 @!p1 $0x3FFF8, s5;
	(pc) =	sbr.rel @!p2 .LBB2_52-.Ltmp40, $4  }
0x27c: {  	s4 =	simm.s32 $0xF238;
	s5 =	sand.u32 @!p1 $0x7, s5;
	s2 =	sadd.s32 @!p1 s1, s6  }
0x27d: {  	[hbm4b:s2+s5] =	stream.linear.scatter @!p1 [tilespmem:s4], [sflag:$0x7], $0x80, $0x38;
	[tilespmem:$0x1F6F8] =	vst v63  }
0x27e: {  	s5 =	simm.s32 $0x0  }
0x27f: {  	s2 =	simm.s32 $0xF219;
	s5 =	simm.s32 @!p1 $0x200  }
.LBB2_51:
0x280: {  	v0 =	vld.msk [tilespmem:s2+$0x0], $0x1;
	s0 =	sadd.s32 $0xFFFFFFFF, s0;
	s3 =	sadd.s32 s3, s5  }
0x281: {  	p1 =	sne.s32 s0, $0x0;
	_ =	sdelay $0x3  }
0x282: {  	(v2sf) =	vpush v0, $0x0;
	_ =	sdelay $0xe  }
.Ltmp41:
0x283: {  	s6 =	spop (v2sf);
	(pc) =	sbr.rel @p1 .LBB2_51-.Ltmp41, $4  }
0x284: {  	s5 =	simm.s32 $0x0;
	p2 =	sgt.u32 s6, $0x277F0  }
0x285: {  	s4 =	sadd.s32 $0x80, s4;
	s5 =	simm.s32 @!p2 $0x200;
	s7 =	sand.u32 @!p2 $0x3FFF8, s6  }
0x286: {  	s2 =	sadd.s32 $0x1, s2;
	s6 =	sand.u32 @!p2 $0x7, s6;
	s7 =	sadd.s32 @!p2 s1, s7  }
0x287: {  	[hbm4b:s7+s6] =	stream.linear.scatter @!p2 [tilespmem:s4], [sflag:$0x7], $0x80, $0x38;
	[tilespmem:$0x1F6F8] =	vst v63  }
.LBB2_52:
0x288: {  	s0 =	sadd.s32 s3, s5  }
0x289: {  	s3 =	sshrl.u32 s0, $0x2  }
.LBB2_53:
0x28a: {  	s0 =	simm.s32 $0x7  }
0x28b: {  	_ =	swait.ge [sflag:s0], s3  }
0x28c: {  	s1 =	ssub.s32 $0x0, s3;
	[sflag:s0] =	ssyncset.done $0x0  }
0x28d: {  	[sflag:s0] =	ssyncadd.s32 s1  }
0x28e: {  	[sflag:s0] =	ssyncpa.u1 $0x1  }
.LBB2_54:
0x28f: {  	_ =	sfence;
	s0 =	simm.s32 $0x1  }
0x290: {  	[sflag:s0] =	ssyncpa.u1 $0x1  }
0x291: {  	_ =	strace $0x9000004D  }
0x292: {  	[bflag:$0x2] =	sbarrier.arrive $0xFFFF  }
0x293: {  	s0 =	rddreg [dreg:$0x4]  }
0x294: {  	s0 =	sadd.s32 @!p0 $0x100000, s0  }
0x295: {  	[sflag:s0] =	ssyncadd.tile.s32 @!p0 $0x1;
	_ =	shalt  }
.Lfunc_end2:
_tile_overlayer_lowered:
.L_overlay_start_2:
0x296: {  	(tag) =	ssettag $0x2  }
0x297: {  	s0 =	rddreg [dreg:$0x0];
	s2 =	stileid.u32  }
0x298: {  	s1 =	rddreg [dreg:$0x1];
	p0 =	sne.s32 s2, $0x0  }
0x299: {  	s3 =	rddreg [dreg:$0x2];
	[bflag:$0x3] =	sbarrier.arrive $0xFFFF;
	s2 =	simm.s32 @!p0 $0x1C01  }
0x29a: {  	[timem:s3], [sflag:s2] =	dma.local @!p0 [hbm:s0], s1  }
0x29b: {  	s0 =	simm.s32 @!p0 $0x1  }
0x29c: {  	_ =	swait.ge @!p0 [sflag:s0], s1  }
0x29d: {  	s1 =	ssub.s32 @!p0 $0x0, s1;
	[sflag:s0] =	ssyncset.done @!p0 $0x0  }
0x29e: {  	[sflag:s0] =	ssyncadd.s32 @!p0 s1  }
0x29f: {  	[bflag:$0x3] =	sbarrier.arrive $0xFFFF  }
0x2a0: {  	_ =	shalt  }

</sc_bundles>
